<compile_context>
chip_gen: v7x
topology: tpu7x:2x2x1
jax: 0.10.2.dev20260603
libtpu: 0.0.44.dev20260713+nightly
codegen_flags: <defaults>
</compile_context>

<pallas_src>
import functools

import jax
import jax.numpy as jnp
from jax import lax
from jax.experimental import pallas as pl
from jax.experimental.pallas import tpu as pltpu
from jax.experimental.pallas import tpu_sc as plsc

_NBUF = 4
_C = 2


def _moe_kernel(idx_ref, x_ref, w_hbm, out_ref, w_buf, sem):
    E, D, O = w_hbm.shape
    DC = D // _C
    TOT = E * _C

    def make_copy(t, slot):
        e = t // _C
        c = jax.lax.rem(t, _C)
        return pltpu.make_async_copy(
            w_hbm.at[e, pl.ds(c * DC, DC), :],
            w_buf.at[slot],
            sem.at[slot],
        )

    for s in range(_NBUF):
        make_copy(s, s).start()

    def body(r, _):
        for s in range(_NBUF):
            t = r * _NBUF + s
            e = t // _C
            c = jax.lax.rem(t, _C)
            make_copy(t, s).wait()
            mask = (idx_ref[...] == e).astype(jnp.float32)
            xm = x_ref[:, pl.ds(c * DC, DC)] * mask
            part = jnp.dot(xm, w_buf[s], preferred_element_type=jnp.float32)

            @pl.when(t == 0)
            def _init():
                out_ref[...] = part

            @pl.when(t != 0)
            def _accum():
                out_ref[...] += part

            nxt = t + _NBUF

            @pl.when(nxt < TOT)
            def _prefetch():
                make_copy(nxt, s).start()

        return 0

    jax.lax.fori_loop(0, TOT // _NBUF, body, 0)


def _matmul_part(inputs, idx2d, w):
    N, D = inputs.shape
    E, _, O = w.shape
    return pl.pallas_call(
        _moe_kernel,
        in_specs=[
            pl.BlockSpec(memory_space=pltpu.VMEM),
            pl.BlockSpec(memory_space=pltpu.VMEM),
            pl.BlockSpec(memory_space=pl.ANY),
        ],
        out_specs=pl.BlockSpec(memory_space=pltpu.VMEM),
        out_shape=jax.ShapeDtypeStruct((N, O), jnp.float32),
        scratch_shapes=[
            pltpu.VMEM((_NBUF, D // _C, O), jnp.float32),
            pltpu.SemaphoreType.DMA((_NBUF,)),
        ],
    )(idx2d, inputs, w)


def _bias_part(b, indices):
    N = indices.shape[0]
    E, O = b.shape
    NW = 16
    per_w = N // NW
    mesh = plsc.VectorSubcoreMesh(core_axis_name="c", subcore_axis_name="s")

    @functools.partial(
        pl.kernel,
        out_type=jax.ShapeDtypeStruct((N, O), jnp.float32),
        mesh=mesh,
        scratch_types=[
            pltpu.VMEM((per_w,), jnp.int32),
            pltpu.VMEM((per_w, O), jnp.float32),
            pltpu.SemaphoreType.DMA,
        ],
    )
    def gather(b_hbm, idx_hbm, out_hbm, idx_v, rows_v, sem):
        wid = lax.axis_index("s") * 2 + lax.axis_index("c")

        @pl.when(wid < NW)
        def _():
            base = wid * per_w
            pltpu.sync_copy(idx_hbm.at[pl.ds(base, per_w)], idx_v)
            pltpu.async_copy(b_hbm.at[idx_v], rows_v, sem).wait()
            pltpu.sync_copy(rows_v, out_hbm.at[pl.ds(base, per_w)])

    return gather(b, indices)


def kernel(inputs, indices, w, b):
    N, _ = inputs.shape
    idx_i32 = indices.astype(jnp.int32)
    mm = _matmul_part(inputs, idx_i32.reshape(N, 1), w)
    bias = _bias_part(b, idx_i32)
    return mm + bias

# --- scband reference (transcript-rebuilt; emitter-appended) ---
"""Pipeline reference for scband-multi-linear-46875273069380 (READ-ONLY COPY).

The authoritative reference and input builder live on the scoring server;
editing this copy changes nothing except your own understanding.
"""

import jax, jax.numpy as jnp
import numpy as np

N, D, O, E = 128, 1024, 1024, 8

def setup_inputs(seed: int = 0) -> dict:
    key = jax.random.key(seed)
    k1, k2, k3 = jax.random.split(key, 3)
    inputs = jax.random.normal(k1, (N, D), dtype=jnp.float32)
    indices = jax.random.randint(k2, (N,), 0, E)
    stddev = 1.0 / jnp.sqrt(D)
    w = jax.random.truncated_normal(k3, -2.0, 2.0, (E, D, O), dtype=jnp.float32) * stddev
    b = jnp.zeros((E, O), dtype=jnp.float32)
    return {"inputs": inputs, "indices": indices, "w": w, "b": b}

def reference(inputs, indices, w, b):
    # gather per-token expert weight matrix, then per-token matvec (vmapped dot)
    out = jax.vmap(jnp.dot)(inputs, w[indices])
    return out + b[indices]

if __name__ == "__main__":
    import jax
    _d = setup_inputs()
    print(jax.jit(kernel)(*tuple(_d.values())))

</pallas_src>

<mosaic_0001>
#map = affine_map<(d0, d1) -> (0, 0)>
#map1 = affine_map<(d0, d1) -> (0)>
module attributes {stable_mosaic.version = 14 : i64} {
  func.func @gather(%arg0: i32, %arg1: i32, %arg2: memref<8x1024xf32, #tpu.memory_space<hbm>>, %arg3: memref<128xi32, #tpu.memory_space<hbm>>, %arg4: memref<128x1024xf32, #tpu.memory_space<hbm>>, %arg5: memref<8xi32, #tpu.memory_space<vmem>>, %arg6: memref<8x1024xf32, #tpu.memory_space<vmem>>, %arg7: memref<!tpu.dma_semaphore, #tpu.memory_space<semaphore_mem>>) attributes {dimension_semantics = [#tpu.dimension_semantics<core_parallel>, #tpu.dimension_semantics<subcore_parallel>], iteration_bounds = array<i64: 2, 16>, scalar_prefetch = 0 : i64, scratch_operands = 3 : i64, tpu.core_type = #tpu.core_type<sc_vector_subcore>, window_params = [{transform_indices = #map}, {transform_indices = #map1}, {transform_indices = #map}]} {
    %mul3A = arith.constant 2 : i32
    %mul3A_0 = arith.muli %arg1, %mul3A : i32
    %add3A = arith.addi %mul3A_0, %arg0 : i32
    %lt3A = arith.constant 16 : i32
    %lt3A_1 = arith.cmpi slt, %add3A, %lt3A : i32
    %convert_element_type3A = arith.extui %lt3A_1 : i1 to i32
    %cond3A = arith.constant 0 : i32
    %cond3A_2 = arith.cmpi ne, %convert_element_type3A, %cond3A : i32
    scf.if %cond3A_2 {
      %mul3A_3 = arith.constant 8 : i32
      %mul3A_4 = arith.muli %add3A, %mul3A_3 : i32
      "tpu.region"() ({
        %run_scoped3A = tpu.sem_alloc : memref<!tpu.dma_semaphore, #tpu.memory_space<semaphore_mem>>
        %dma_start3A_9 = tpu.memref_slice %arg3[%mul3A_4] : memref<128xi32, #tpu.memory_space<hbm>> -> memref<8xi32, #tpu.memory_space<hbm>>
        %dma_start3A_10 = tpu.memref_slice %arg3[%mul3A_4] : memref<128xi32, #tpu.memory_space<hbm>> -> memref<8xi32, #tpu.memory_space<hbm>>
        tpu.enqueue_dma source(%dma_start3A_10 : memref<8xi32, #tpu.memory_space<hbm>>) target(%arg5 : memref<8xi32, #tpu.memory_space<vmem>>) target_semaphore(%run_scoped3A : memref<!tpu.dma_semaphore, #tpu.memory_space<semaphore_mem>>)
        %dma_wait3A_11 = tpu.memref_slice %arg3[%mul3A_4] : memref<128xi32, #tpu.memory_space<hbm>> -> memref<8xi32, #tpu.memory_space<hbm>>
        %dma_wait3A_12 = tpu.memref_slice %arg3[%mul3A_4] : memref<128xi32, #tpu.memory_space<hbm>> -> memref<8xi32, #tpu.memory_space<hbm>>
        tpu.wait_dma2 semaphore(%run_scoped3A : memref<!tpu.dma_semaphore, #tpu.memory_space<semaphore_mem>>) src(%dma_wait3A_12 : memref<8xi32, #tpu.memory_space<hbm>>) dst(%arg5 : memref<8xi32, #tpu.memory_space<vmem>>)
        tpu.yield
      }) : () -> ()
      %dma_start3A = arith.constant 0 : i32
      %dma_start3A_5 = arith.constant 0 : i32
      %dma_start3A_6 = tpu.memref_slice %arg2[%dma_start3A, %dma_start3A_5] : memref<8x1024xf32, #tpu.memory_space<hbm>> -> memref<8x1024xf32, #tpu.memory_space<hbm>>
      tpu.enqueue_indirect_dma source(%dma_start3A_6 : memref<8x1024xf32, #tpu.memory_space<hbm>>) target(%arg6 : memref<8x1024xf32, #tpu.memory_space<vmem>>) offsets(%arg5 : memref<8xi32, #tpu.memory_space<vmem>>) semaphore(%arg7 : memref<!tpu.dma_semaphore, #tpu.memory_space<semaphore_mem>>)
      %dma_wait3A = arith.constant 0 : i32
      %dma_wait3A_7 = arith.constant 0 : i32
      %dma_wait3A_8 = tpu.memref_slice %arg2[%dma_wait3A, %dma_wait3A_7] : memref<8x1024xf32, #tpu.memory_space<hbm>> -> memref<8x1024xf32, #tpu.memory_space<hbm>>
      tpu.wait_indirect_dma semaphore(%arg7 : memref<!tpu.dma_semaphore, #tpu.memory_space<semaphore_mem>>) src(%dma_wait3A_8 : memref<8x1024xf32, #tpu.memory_space<hbm>>) dst(%arg6 : memref<8x1024xf32, #tpu.memory_space<vmem>>)
      "tpu.region"() ({
        %run_scoped3A = tpu.sem_alloc : memref<!tpu.dma_semaphore, #tpu.memory_space<semaphore_mem>>
        %dma_start3A_9 = arith.constant 0 : i32
        %dma_start3A_10 = tpu.memref_slice %arg4[%mul3A_4, %dma_start3A_9] : memref<128x1024xf32, #tpu.memory_space<hbm>> -> memref<8x1024xf32, #tpu.memory_space<hbm>>
        %dma_start3A_11 = arith.constant 0 : i32
        %dma_start3A_12 = tpu.memref_slice %arg4[%mul3A_4, %dma_start3A_11] : memref<128x1024xf32, #tpu.memory_space<hbm>> -> memref<8x1024xf32, #tpu.memory_space<hbm>>
        tpu.enqueue_dma source(%arg6 : memref<8x1024xf32, #tpu.memory_space<vmem>>) target(%dma_start3A_12 : memref<8x1024xf32, #tpu.memory_space<hbm>>) target_semaphore(%run_scoped3A : memref<!tpu.dma_semaphore, #tpu.memory_space<semaphore_mem>>)
        %dma_wait3A_13 = arith.constant 0 : i32
        %dma_wait3A_14 = tpu.memref_slice %arg4[%mul3A_4, %dma_wait3A_13] : memref<128x1024xf32, #tpu.memory_space<hbm>> -> memref<8x1024xf32, #tpu.memory_space<hbm>>
        %dma_wait3A_15 = arith.constant 0 : i32
        %dma_wait3A_16 = tpu.memref_slice %arg4[%mul3A_4, %dma_wait3A_15] : memref<128x1024xf32, #tpu.memory_space<hbm>> -> memref<8x1024xf32, #tpu.memory_space<hbm>>
        tpu.wait_dma2 semaphore(%run_scoped3A : memref<!tpu.dma_semaphore, #tpu.memory_space<semaphore_mem>>) src(%arg6 : memref<8x1024xf32, #tpu.memory_space<vmem>>) dst(%dma_wait3A_16 : memref<8x1024xf32, #tpu.memory_space<hbm>>)
        tpu.yield
      }) : () -> ()
    } else {
    }
    return
  }
}

module attributes {stable_mosaic.version = 14 : i64} {
  func.func @_moe_kernel(%arg0: memref<128x1xi32, #tpu.memory_space<vmem>>, %arg1: memref<128x1024xf32, #tpu.memory_space<vmem>>, %arg2: memref<8x1024x1024xf32, #tpu.memory_space<any>>, %arg3: memref<128x1024xf32, #tpu.memory_space<vmem>>, %arg4: memref<4x512x1024xf32, #tpu.memory_space<vmem>>, %arg5: memref<4x!tpu.dma_semaphore, #tpu.memory_space<semaphore_mem>>) attributes {dimension_semantics = [], scalar_prefetch = 0 : i64, scratch_operands = 2 : i64, tpu.core_type = #tpu.core_type<tc>} {
    %rem3A = arith.constant 0 : i32
    %rem3A_0 = arith.constant 2 : i32
    %rem3A_1 = arith.remsi %rem3A, %rem3A_0 : i32
    %mul3A = arith.constant 512 : i32
    %mul3A_2 = arith.muli %rem3A_1, %mul3A : i32
    %dma_start3A = arith.constant 0 : i32
    %dma_start3A_3 = arith.constant 0 : i32
    %dma_start3A_4 = arith.constant 0 : i32
    %dma_start3A_5 = tpu.memref_slice %arg5[%dma_start3A_4] : memref<4x!tpu.dma_semaphore, #tpu.memory_space<semaphore_mem>> -> memref<1x!tpu.dma_semaphore, #tpu.memory_space<semaphore_mem>>
    %dma_start3A_6 = tpu.memref_squeeze %dma_start3A_5 : memref<1x!tpu.dma_semaphore, #tpu.memory_space<semaphore_mem>> -> memref<!tpu.dma_semaphore, #tpu.memory_space<semaphore_mem>>
    %dma_start3A_7 = arith.constant 0 : i32
    %dma_start3A_8 = arith.constant 0 : i32
    %dma_start3A_9 = tpu.memref_slice %arg4[%dma_start3A_3, %dma_start3A_7, %dma_start3A_8] : memref<4x512x1024xf32, #tpu.memory_space<vmem>> -> memref<1x512x1024xf32, #tpu.memory_space<vmem>>
    %dma_start3A_10 = tpu.memref_squeeze %dma_start3A_9 : memref<1x512x1024xf32, #tpu.memory_space<vmem>> -> memref<512x1024xf32, #tpu.memory_space<vmem>>
    %dma_start3A_11 = arith.constant 0 : i32
    %dma_start3A_12 = tpu.memref_slice %arg2[%dma_start3A, %mul3A_2, %dma_start3A_11] : memref<8x1024x1024xf32, #tpu.memory_space<any>> -> memref<1x512x1024xf32, #tpu.memory_space<any>>
    %dma_start3A_13 = tpu.memref_squeeze %dma_start3A_12 : memref<1x512x1024xf32, #tpu.memory_space<any>> -> memref<512x1024xf32, #tpu.memory_space<any>>
    tpu.enqueue_dma source(%dma_start3A_13 : memref<512x1024xf32, #tpu.memory_space<any>>) target(%dma_start3A_10 : memref<512x1024xf32, #tpu.memory_space<vmem>>) target_semaphore(%dma_start3A_6 : memref<!tpu.dma_semaphore, #tpu.memory_space<semaphore_mem>>)
    %rem3A_14 = arith.constant 1 : i32
    %rem3A_15 = arith.constant 2 : i32
    %rem3A_16 = arith.remsi %rem3A_14, %rem3A_15 : i32
    %mul3A_17 = arith.constant 512 : i32
    %mul3A_18 = arith.muli %rem3A_16, %mul3A_17 : i32
    %dma_start3A_19 = arith.constant 0 : i32
    %dma_start3A_20 = arith.constant 1 : i32
    %dma_start3A_21 = arith.constant 1 : i32
    %dma_start3A_22 = tpu.memref_slice %arg5[%dma_start3A_21] : memref<4x!tpu.dma_semaphore, #tpu.memory_space<semaphore_mem>> -> memref<1x!tpu.dma_semaphore, #tpu.memory_space<semaphore_mem>>
    %dma_start3A_23 = tpu.memref_squeeze %dma_start3A_22 : memref<1x!tpu.dma_semaphore, #tpu.memory_space<semaphore_mem>> -> memref<!tpu.dma_semaphore, #tpu.memory_space<semaphore_mem>>
    %dma_start3A_24 = arith.constant 0 : i32
    %dma_start3A_25 = arith.constant 0 : i32
    %dma_start3A_26 = tpu.memref_slice %arg4[%dma_start3A_20, %dma_start3A_24, %dma_start3A_25] : memref<4x512x1024xf32, #tpu.memory_space<vmem>> -> memref<1x512x1024xf32, #tpu.memory_space<vmem>>
    %dma_start3A_27 = tpu.memref_squeeze %dma_start3A_26 : memref<1x512x1024xf32, #tpu.memory_space<vmem>> -> memref<512x1024xf32, #tpu.memory_space<vmem>>
    %dma_start3A_28 = arith.constant 0 : i32
    %dma_start3A_29 = tpu.memref_slice %arg2[%dma_start3A_19, %mul3A_18, %dma_start3A_28] : memref<8x1024x1024xf32, #tpu.memory_space<any>> -> memref<1x512x1024xf32, #tpu.memory_space<any>>
    %dma_start3A_30 = tpu.memref_squeeze %dma_start3A_29 : memref<1x512x1024xf32, #tpu.memory_space<any>> -> memref<512x1024xf32, #tpu.memory_space<any>>
    tpu.enqueue_dma source(%dma_start3A_30 : memref<512x1024xf32, #tpu.memory_space<any>>) target(%dma_start3A_27 : memref<512x1024xf32, #tpu.memory_space<vmem>>) target_semaphore(%dma_start3A_23 : memref<!tpu.dma_semaphore, #tpu.memory_space<semaphore_mem>>)
    %rem3A_31 = arith.constant 2 : i32
    %rem3A_32 = arith.constant 2 : i32
    %rem3A_33 = arith.remsi %rem3A_31, %rem3A_32 : i32
    %mul3A_34 = arith.constant 512 : i32
    %mul3A_35 = arith.muli %rem3A_33, %mul3A_34 : i32
    %dma_start3A_36 = arith.constant 1 : i32
    %dma_start3A_37 = arith.constant 2 : i32
    %dma_start3A_38 = arith.constant 2 : i32
    %dma_start3A_39 = tpu.memref_slice %arg5[%dma_start3A_38] : memref<4x!tpu.dma_semaphore, #tpu.memory_space<semaphore_mem>> -> memref<1x!tpu.dma_semaphore, #tpu.memory_space<semaphore_mem>>
    %dma_start3A_40 = tpu.memref_squeeze %dma_start3A_39 : memref<1x!tpu.dma_semaphore, #tpu.memory_space<semaphore_mem>> -> memref<!tpu.dma_semaphore, #tpu.memory_space<semaphore_mem>>
    %dma_start3A_41 = arith.constant 0 : i32
    %dma_start3A_42 = arith.constant 0 : i32
    %dma_start3A_43 = tpu.memref_slice %arg4[%dma_start3A_37, %dma_start3A_41, %dma_start3A_42] : memref<4x512x1024xf32, #tpu.memory_space<vmem>> -> memref<1x512x1024xf32, #tpu.memory_space<vmem>>
    %dma_start3A_44 = tpu.memref_squeeze %dma_start3A_43 : memref<1x512x1024xf32, #tpu.memory_space<vmem>> -> memref<512x1024xf32, #tpu.memory_space<vmem>>
    %dma_start3A_45 = arith.constant 0 : i32
    %dma_start3A_46 = tpu.memref_slice %arg2[%dma_start3A_36, %mul3A_35, %dma_start3A_45] : memref<8x1024x1024xf32, #tpu.memory_space<any>> -> memref<1x512x1024xf32, #tpu.memory_space<any>>
    %dma_start3A_47 = tpu.memref_squeeze %dma_start3A_46 : memref<1x512x1024xf32, #tpu.memory_space<any>> -> memref<512x1024xf32, #tpu.memory_space<any>>
    tpu.enqueue_dma source(%dma_start3A_47 : memref<512x1024xf32, #tpu.memory_space<any>>) target(%dma_start3A_44 : memref<512x1024xf32, #tpu.memory_space<vmem>>) target_semaphore(%dma_start3A_40 : memref<!tpu.dma_semaphore, #tpu.memory_space<semaphore_mem>>)
    %rem3A_48 = arith.constant 3 : i32
    %rem3A_49 = arith.constant 2 : i32
    %rem3A_50 = arith.remsi %rem3A_48, %rem3A_49 : i32
    %mul3A_51 = arith.constant 512 : i32
    %mul3A_52 = arith.muli %rem3A_50, %mul3A_51 : i32
    %dma_start3A_53 = arith.constant 1 : i32
    %dma_start3A_54 = arith.constant 3 : i32
    %dma_start3A_55 = arith.constant 3 : i32
    %dma_start3A_56 = tpu.memref_slice %arg5[%dma_start3A_55] : memref<4x!tpu.dma_semaphore, #tpu.memory_space<semaphore_mem>> -> memref<1x!tpu.dma_semaphore, #tpu.memory_space<semaphore_mem>>
    %dma_start3A_57 = tpu.memref_squeeze %dma_start3A_56 : memref<1x!tpu.dma_semaphore, #tpu.memory_space<semaphore_mem>> -> memref<!tpu.dma_semaphore, #tpu.memory_space<semaphore_mem>>
    %dma_start3A_58 = arith.constant 0 : i32
    %dma_start3A_59 = arith.constant 0 : i32
    %dma_start3A_60 = tpu.memref_slice %arg4[%dma_start3A_54, %dma_start3A_58, %dma_start3A_59] : memref<4x512x1024xf32, #tpu.memory_space<vmem>> -> memref<1x512x1024xf32, #tpu.memory_space<vmem>>
    %dma_start3A_61 = tpu.memref_squeeze %dma_start3A_60 : memref<1x512x1024xf32, #tpu.memory_space<vmem>> -> memref<512x1024xf32, #tpu.memory_space<vmem>>
    %dma_start3A_62 = arith.constant 0 : i32
    %dma_start3A_63 = tpu.memref_slice %arg2[%dma_start3A_53, %mul3A_52, %dma_start3A_62] : memref<8x1024x1024xf32, #tpu.memory_space<any>> -> memref<1x512x1024xf32, #tpu.memory_space<any>>
    %dma_start3A_64 = tpu.memref_squeeze %dma_start3A_63 : memref<1x512x1024xf32, #tpu.memory_space<any>> -> memref<512x1024xf32, #tpu.memory_space<any>>
    tpu.enqueue_dma source(%dma_start3A_64 : memref<512x1024xf32, #tpu.memory_space<any>>) target(%dma_start3A_61 : memref<512x1024xf32, #tpu.memory_space<vmem>>) target_semaphore(%dma_start3A_57 : memref<!tpu.dma_semaphore, #tpu.memory_space<semaphore_mem>>)
    %scan3A = arith.constant 0 : i32
    %scan3A_65 = arith.constant 4 : i32
    %scan3A_66 = arith.addi %scan3A, %scan3A_65 : i32
    %scan3A_67 = arith.constant 1 : i32
    scf.for %scan3A_69 = %scan3A to %scan3A_66 step %scan3A_67  : i32 {
      %mul3A_70 = arith.constant 4 : i32
      %mul3A_71 = arith.muli %scan3A_69, %mul3A_70 : i32
      %add3A = arith.constant 0 : i32
      %add3A_72 = arith.addi %mul3A_71, %add3A : i32
      %jit3A = arith.constant 2 : i32
      %div3A = arith.divsi %add3A_72, %jit3A : i32
      %sign3A = arith.constant 0 : i32
      %sign3A_73 = arith.cmpi sgt, %add3A_72, %sign3A : i32
      %sign3A_74 = arith.extui %sign3A_73 : i1 to i32
      %sign3A_75 = arith.constant 0 : i32
      %sign3A_76 = arith.cmpi slt, %add3A_72, %sign3A_75 : i32
      %sign3A_77 = arith.extui %sign3A_76 : i1 to i32
      %sign3A_78 = arith.subi %sign3A_74, %sign3A_77 : i32
      %sign3A_79 = arith.constant 0 : i32
      %sign3A_80 = arith.cmpi sgt, %jit3A, %sign3A_79 : i32
      %sign3A_81 = arith.extui %sign3A_80 : i1 to i32
      %sign3A_82 = arith.constant 0 : i32
      %sign3A_83 = arith.cmpi slt, %jit3A, %sign3A_82 : i32
      %sign3A_84 = arith.extui %sign3A_83 : i1 to i32
      %sign3A_85 = arith.subi %sign3A_81, %sign3A_84 : i32
      %ne3A = arith.cmpi ne, %sign3A_78, %sign3A_85 : i32
      %rem3A_86 = arith.remsi %add3A_72, %jit3A : i32
      %ne3A_87 = arith.constant 0 : i32
      %ne3A_88 = arith.cmpi ne, %rem3A_86, %ne3A_87 : i32
      %and3A = arith.andi %ne3A, %ne3A_88 : i1
      %sub3A = arith.constant 1 : i32
      %sub3A_89 = arith.subi %div3A, %sub3A : i32
      %select_n3A = arith.select %and3A, %sub3A_89, %div3A : i32
      %rem3A_90 = arith.constant 2 : i32
      %rem3A_91 = arith.remsi %add3A_72, %rem3A_90 : i32
      %jit3A_92 = arith.constant 2 : i32
      %div3A_93 = arith.divsi %add3A_72, %jit3A_92 : i32
      %sign3A_94 = arith.constant 0 : i32
      %sign3A_95 = arith.cmpi sgt, %add3A_72, %sign3A_94 : i32
      %sign3A_96 = arith.extui %sign3A_95 : i1 to i32
      %sign3A_97 = arith.constant 0 : i32
      %sign3A_98 = arith.cmpi slt, %add3A_72, %sign3A_97 : i32
      %sign3A_99 = arith.extui %sign3A_98 : i1 to i32
      %sign3A_100 = arith.subi %sign3A_96, %sign3A_99 : i32
      %sign3A_101 = arith.constant 0 : i32
      %sign3A_102 = arith.cmpi sgt, %jit3A_92, %sign3A_101 : i32
      %sign3A_103 = arith.extui %sign3A_102 : i1 to i32
      %sign3A_104 = arith.constant 0 : i32
      %sign3A_105 = arith.cmpi slt, %jit3A_92, %sign3A_104 : i32
      %sign3A_106 = arith.extui %sign3A_105 : i1 to i32
      %sign3A_107 = arith.subi %sign3A_103, %sign3A_106 : i32
      %ne3A_108 = arith.cmpi ne, %sign3A_100, %sign3A_107 : i32
      %rem3A_109 = arith.remsi %add3A_72, %jit3A_92 : i32
      %ne3A_110 = arith.constant 0 : i32
      %ne3A_111 = arith.cmpi ne, %rem3A_109, %ne3A_110 : i32
      %and3A_112 = arith.andi %ne3A_108, %ne3A_111 : i1
      %sub3A_113 = arith.constant 1 : i32
      %sub3A_114 = arith.subi %div3A_93, %sub3A_113 : i32
      %select_n3A_115 = arith.select %and3A_112, %sub3A_114, %div3A_93 : i32
      %rem3A_116 = arith.constant 2 : i32
      %rem3A_117 = arith.remsi %add3A_72, %rem3A_116 : i32
      %mul3A_118 = arith.constant 512 : i32
      %mul3A_119 = arith.muli %rem3A_117, %mul3A_118 : i32
      %dma_wait3A = arith.constant 0 : i32
      %dma_wait3A_120 = arith.constant 0 : i32
      %dma_wait3A_121 = tpu.memref_slice %arg5[%dma_wait3A_120] : memref<4x!tpu.dma_semaphore, #tpu.memory_space<semaphore_mem>> -> memref<1x!tpu.dma_semaphore, #tpu.memory_space<semaphore_mem>>
      %dma_wait3A_122 = tpu.memref_squeeze %dma_wait3A_121 : memref<1x!tpu.dma_semaphore, #tpu.memory_space<semaphore_mem>> -> memref<!tpu.dma_semaphore, #tpu.memory_space<semaphore_mem>>
      %dma_wait3A_123 = arith.constant 0 : i32
      %dma_wait3A_124 = arith.constant 0 : i32
      %dma_wait3A_125 = tpu.memref_slice %arg4[%dma_wait3A, %dma_wait3A_123, %dma_wait3A_124] : memref<4x512x1024xf32, #tpu.memory_space<vmem>> -> memref<1x512x1024xf32, #tpu.memory_space<vmem>>
      %dma_wait3A_126 = tpu.memref_squeeze %dma_wait3A_125 : memref<1x512x1024xf32, #tpu.memory_space<vmem>> -> memref<512x1024xf32, #tpu.memory_space<vmem>>
      %dma_wait3A_127 = arith.constant 0 : i32
      %dma_wait3A_128 = tpu.memref_slice %arg2[%select_n3A_115, %mul3A_119, %dma_wait3A_127] : memref<8x1024x1024xf32, #tpu.memory_space<any>> -> memref<1x512x1024xf32, #tpu.memory_space<any>>
      %dma_wait3A_129 = tpu.memref_squeeze %dma_wait3A_128 : memref<1x512x1024xf32, #tpu.memory_space<any>> -> memref<512x1024xf32, #tpu.memory_space<any>>
      tpu.wait_dma2 semaphore(%dma_wait3A_122 : memref<!tpu.dma_semaphore, #tpu.memory_space<semaphore_mem>>) src(%dma_wait3A_129 : memref<512x1024xf32, #tpu.memory_space<any>>) dst(%dma_wait3A_126 : memref<512x1024xf32, #tpu.memory_space<vmem>>)
      %get3A = arith.constant 0 : index
      %get3A_130 = arith.constant 0 : index
      %get3A_131 = vector.load %arg0[%get3A, %get3A_130] : memref<128x1xi32, #tpu.memory_space<vmem>>, vector<128x1xi32>
      %eq3A = vector.broadcast %select_n3A : i32 to vector<128x1xi32>
      %eq3A_132 = arith.cmpi eq, %get3A_131, %eq3A : vector<128x1xi32>
      %convert_element_type3A = arith.extui %eq3A_132 : vector<128x1xi1> to vector<128x1xi32>
      %convert_element_type3A_133 = arith.sitofp %convert_element_type3A : vector<128x1xi32> to vector<128x1xf32>
      %mul3A_134 = arith.constant 512 : i32
      %mul3A_135 = arith.muli %rem3A_91, %mul3A_134 : i32
      %get3A_136 = arith.constant 0 : index
      %get3A_137 = arith.index_cast %mul3A_135 : i32 to index
      %get3A_138 = vector.load %arg1[%get3A_136, %get3A_137] : memref<128x1024xf32, #tpu.memory_space<vmem>>, vector<128x512xf32>
      %mul3A_139 = vector.broadcast %convert_element_type3A_133 : vector<128x1xf32> to vector<128x512xf32>
      %mul3A_140 = arith.mulf %get3A_138, %mul3A_139 : vector<128x512xf32>
      %get3A_141 = arith.constant 0 : index
      %get3A_142 = arith.constant 0 : index
      %get3A_143 = arith.constant 0 : index
      %get3A_144 = vector.load %arg4[%get3A_141, %get3A_142, %get3A_143] : memref<4x512x1024xf32, #tpu.memory_space<vmem>>, vector<1x512x1024xf32>
      %get3A_145 = vector.shape_cast %get3A_144 : vector<1x512x1024xf32> to vector<512x1024xf32>
      %dot_general3A = arith.constant dense<0.000000e+00> : vector<128x1024xf32>
      %dot_general3A_146 = tpu.matmul %mul3A_140, %get3A_145, %dot_general3A {dimension_numbers = #tpu.dot_dimension_numbers<[1], [0], [0], [1], [0, 0, 1, 1], [], []>, transpose_lhs_hint = false} : vector<128x512xf32>, vector<512x1024xf32>, vector<128x1024xf32> -> vector<128x1024xf32>
      %eq3A_147 = arith.constant 0 : i32
      %eq3A_148 = arith.cmpi eq, %add3A_72, %eq3A_147 : i32
      %convert_element_type3A_149 = arith.extui %eq3A_148 : i1 to i32
      %cond3A = arith.constant 0 : i32
      %cond3A_150 = arith.cmpi ne, %convert_element_type3A_149, %cond3A : i32
      scf.if %cond3A_150 {
        %swap3A = arith.constant 0 : index
        %swap3A_483 = arith.constant 0 : index
        %swap3A_484 = vector.load %arg3[%swap3A, %swap3A_483] : memref<128x1024xf32, #tpu.memory_space<vmem>>, vector<128x1024xf32>
        tpu.vector_store %arg3[%swap3A, %swap3A_483], %dot_general3A_146 {strides = array<i32>} : memref<128x1024xf32, #tpu.memory_space<vmem>>, vector<128x1024xf32>,
      } else {
      }
      %ne3A_151 = arith.constant 0 : i32
      %ne3A_152 = arith.cmpi ne, %add3A_72, %ne3A_151 : i32
      %convert_element_type3A_153 = arith.extui %ne3A_152 : i1 to i32
      %cond3A_154 = arith.constant 0 : i32
      %cond3A_155 = arith.cmpi ne, %convert_element_type3A_153, %cond3A_154 : i32
      scf.if %cond3A_155 {
        %get3A_483 = arith.constant 0 : index
        %get3A_484 = arith.constant 0 : index
        %get3A_485 = vector.load %arg3[%get3A_483, %get3A_484] : memref<128x1024xf32, #tpu.memory_space<vmem>>, vector<128x1024xf32>
        %add3A_486 = arith.addf %get3A_485, %dot_general3A_146 : vector<128x1024xf32>
        %swap3A = arith.constant 0 : index
        %swap3A_487 = arith.constant 0 : index
        %swap3A_488 = vector.load %arg3[%swap3A, %swap3A_487] : memref<128x1024xf32, #tpu.memory_space<vmem>>, vector<128x1024xf32>
        tpu.vector_store %arg3[%swap3A, %swap3A_487], %add3A_486 {strides = array<i32>} : memref<128x1024xf32, #tpu.memory_space<vmem>>, vector<128x1024xf32>,
      } else {
      }
      %add3A_156 = arith.constant 4 : i32
      %add3A_157 = arith.addi %add3A_72, %add3A_156 : i32
      %lt3A = arith.constant 16 : i32
      %lt3A_158 = arith.cmpi slt, %add3A_157, %lt3A : i32
      %convert_element_type3A_159 = arith.extui %lt3A_158 : i1 to i32
      %cond3A_160 = arith.constant 0 : i32
      %cond3A_161 = arith.cmpi ne, %convert_element_type3A_159, %cond3A_160 : i32
      scf.if %cond3A_161 {
        %jit3A_483 = arith.constant 2 : i32
        %div3A_484 = arith.divsi %add3A_157, %jit3A_483 : i32
        %sign3A_485 = arith.constant 0 : i32
        %sign3A_486 = arith.cmpi sgt, %add3A_157, %sign3A_485 : i32
        %sign3A_487 = arith.extui %sign3A_486 : i1 to i32
        %sign3A_488 = arith.constant 0 : i32
        %sign3A_489 = arith.cmpi slt, %add3A_157, %sign3A_488 : i32
        %sign3A_490 = arith.extui %sign3A_489 : i1 to i32
        %sign3A_491 = arith.subi %sign3A_487, %sign3A_490 : i32
        %sign3A_492 = arith.constant 0 : i32
        %sign3A_493 = arith.cmpi sgt, %jit3A_483, %sign3A_492 : i32
        %sign3A_494 = arith.extui %sign3A_493 : i1 to i32
        %sign3A_495 = arith.constant 0 : i32
        %sign3A_496 = arith.cmpi slt, %jit3A_483, %sign3A_495 : i32
        %sign3A_497 = arith.extui %sign3A_496 : i1 to i32
        %sign3A_498 = arith.subi %sign3A_494, %sign3A_497 : i32
        %ne3A_499 = arith.cmpi ne, %sign3A_491, %sign3A_498 : i32
        %rem3A_500 = arith.remsi %add3A_157, %jit3A_483 : i32
        %ne3A_501 = arith.constant 0 : i32
        %ne3A_502 = arith.cmpi ne, %rem3A_500, %ne3A_501 : i32
        %and3A_503 = arith.andi %ne3A_499, %ne3A_502 : i1
        %sub3A_504 = arith.constant 1 : i32
        %sub3A_505 = arith.subi %div3A_484, %sub3A_504 : i32
        %select_n3A_506 = arith.select %and3A_503, %sub3A_505, %div3A_484 : i32
        %rem3A_507 = arith.constant 2 : i32
        %rem3A_508 = arith.remsi %add3A_157, %rem3A_507 : i32
        %mul3A_509 = arith.constant 512 : i32
        %mul3A_510 = arith.muli %rem3A_508, %mul3A_509 : i32
        %dma_start3A_511 = arith.constant 0 : i32
        %dma_start3A_512 = arith.constant 0 : i32
        %dma_start3A_513 = tpu.memref_slice %arg5[%dma_start3A_512] : memref<4x!tpu.dma_semaphore, #tpu.memory_space<semaphore_mem>> -> memref<1x!tpu.dma_semaphore, #tpu.memory_space<semaphore_mem>>
        %dma_start3A_514 = tpu.memref_squeeze %dma_start3A_513 : memref<1x!tpu.dma_semaphore, #tpu.memory_space<semaphore_mem>> -> memref<!tpu.dma_semaphore, #tpu.memory_space<semaphore_mem>>
        %dma_start3A_515 = arith.constant 0 : i32
        %dma_start3A_516 = arith.constant 0 : i32
        %dma_start3A_517 = tpu.memref_slice %arg4[%dma_start3A_511, %dma_start3A_515, %dma_start3A_516] : memref<4x512x1024xf32, #tpu.memory_space<vmem>> -> memref<1x512x1024xf32, #tpu.memory_space<vmem>>
        %dma_start3A_518 = tpu.memref_squeeze %dma_start3A_517 : memref<1x512x1024xf32, #tpu.memory_space<vmem>> -> memref<512x1024xf32, #tpu.memory_space<vmem>>
        %dma_start3A_519 = arith.constant 0 : i32
        %dma_start3A_520 = tpu.memref_slice %arg2[%select_n3A_506, %mul3A_510, %dma_start3A_519] : memref<8x1024x1024xf32, #tpu.memory_space<any>> -> memref<1x512x1024xf32, #tpu.memory_space<any>>
        %dma_start3A_521 = tpu.memref_squeeze %dma_start3A_520 : memref<1x512x1024xf32, #tpu.memory_space<any>> -> memref<512x1024xf32, #tpu.memory_space<any>>
        tpu.enqueue_dma source(%dma_start3A_521 : memref<512x1024xf32, #tpu.memory_space<any>>) target(%dma_start3A_518 : memref<512x1024xf32, #tpu.memory_space<vmem>>) target_semaphore(%dma_start3A_514 : memref<!tpu.dma_semaphore, #tpu.memory_space<semaphore_mem>>)
      } else {
      }
      %mul3A_162 = arith.constant 4 : i32
      %mul3A_163 = arith.muli %scan3A_69, %mul3A_162 : i32
      %add3A_164 = arith.constant 1 : i32
      %add3A_165 = arith.addi %mul3A_163, %add3A_164 : i32
      %jit3A_166 = arith.constant 2 : i32
      %div3A_167 = arith.divsi %add3A_165, %jit3A_166 : i32
      %sign3A_168 = arith.constant 0 : i32
      %sign3A_169 = arith.cmpi sgt, %add3A_165, %sign3A_168 : i32
      %sign3A_170 = arith.extui %sign3A_169 : i1 to i32
      %sign3A_171 = arith.constant 0 : i32
      %sign3A_172 = arith.cmpi slt, %add3A_165, %sign3A_171 : i32
      %sign3A_173 = arith.extui %sign3A_172 : i1 to i32
      %sign3A_174 = arith.subi %sign3A_170, %sign3A_173 : i32
      %sign3A_175 = arith.constant 0 : i32
      %sign3A_176 = arith.cmpi sgt, %jit3A_166, %sign3A_175 : i32
      %sign3A_177 = arith.extui %sign3A_176 : i1 to i32
      %sign3A_178 = arith.constant 0 : i32
      %sign3A_179 = arith.cmpi slt, %jit3A_166, %sign3A_178 : i32
      %sign3A_180 = arith.extui %sign3A_179 : i1 to i32
      %sign3A_181 = arith.subi %sign3A_177, %sign3A_180 : i32
      %ne3A_182 = arith.cmpi ne, %sign3A_174, %sign3A_181 : i32
      %rem3A_183 = arith.remsi %add3A_165, %jit3A_166 : i32
      %ne3A_184 = arith.constant 0 : i32
      %ne3A_185 = arith.cmpi ne, %rem3A_183, %ne3A_184 : i32
      %and3A_186 = arith.andi %ne3A_182, %ne3A_185 : i1
      %sub3A_187 = arith.constant 1 : i32
      %sub3A_188 = arith.subi %div3A_167, %sub3A_187 : i32
      %select_n3A_189 = arith.select %and3A_186, %sub3A_188, %div3A_167 : i32
      %rem3A_190 = arith.constant 2 : i32
      %rem3A_191 = arith.remsi %add3A_165, %rem3A_190 : i32
      %jit3A_192 = arith.constant 2 : i32
      %div3A_193 = arith.divsi %add3A_165, %jit3A_192 : i32
      %sign3A_194 = arith.constant 0 : i32
      %sign3A_195 = arith.cmpi sgt, %add3A_165, %sign3A_194 : i32
      %sign3A_196 = arith.extui %sign3A_195 : i1 to i32
      %sign3A_197 = arith.constant 0 : i32
      %sign3A_198 = arith.cmpi slt, %add3A_165, %sign3A_197 : i32
      %sign3A_199 = arith.extui %sign3A_198 : i1 to i32
      %sign3A_200 = arith.subi %sign3A_196, %sign3A_199 : i32
      %sign3A_201 = arith.constant 0 : i32
      %sign3A_202 = arith.cmpi sgt, %jit3A_192, %sign3A_201 : i32
      %sign3A_203 = arith.extui %sign3A_202 : i1 to i32
      %sign3A_204 = arith.constant 0 : i32
      %sign3A_205 = arith.cmpi slt, %jit3A_192, %sign3A_204 : i32
      %sign3A_206 = arith.extui %sign3A_205 : i1 to i32
      %sign3A_207 = arith.subi %sign3A_203, %sign3A_206 : i32
      %ne3A_208 = arith.cmpi ne, %sign3A_200, %sign3A_207 : i32
      %rem3A_209 = arith.remsi %add3A_165, %jit3A_192 : i32
      %ne3A_210 = arith.constant 0 : i32
      %ne3A_211 = arith.cmpi ne, %rem3A_209, %ne3A_210 : i32
      %and3A_212 = arith.andi %ne3A_208, %ne3A_211 : i1
      %sub3A_213 = arith.constant 1 : i32
      %sub3A_214 = arith.subi %div3A_193, %sub3A_213 : i32
      %select_n3A_215 = arith.select %and3A_212, %sub3A_214, %div3A_193 : i32
      %rem3A_216 = arith.constant 2 : i32
      %rem3A_217 = arith.remsi %add3A_165, %rem3A_216 : i32
      %mul3A_218 = arith.constant 512 : i32
      %mul3A_219 = arith.muli %rem3A_217, %mul3A_218 : i32
      %dma_wait3A_220 = arith.constant 1 : i32
      %dma_wait3A_221 = arith.constant 1 : i32
      %dma_wait3A_222 = tpu.memref_slice %arg5[%dma_wait3A_221] : memref<4x!tpu.dma_semaphore, #tpu.memory_space<semaphore_mem>> -> memref<1x!tpu.dma_semaphore, #tpu.memory_space<semaphore_mem>>
      %dma_wait3A_223 = tpu.memref_squeeze %dma_wait3A_222 : memref<1x!tpu.dma_semaphore, #tpu.memory_space<semaphore_mem>> -> memref<!tpu.dma_semaphore, #tpu.memory_space<semaphore_mem>>
      %dma_wait3A_224 = arith.constant 0 : i32
      %dma_wait3A_225 = arith.constant 0 : i32
      %dma_wait3A_226 = tpu.memref_slice %arg4[%dma_wait3A_220, %dma_wait3A_224, %dma_wait3A_225] : memref<4x512x1024xf32, #tpu.memory_space<vmem>> -> memref<1x512x1024xf32, #tpu.memory_space<vmem>>
      %dma_wait3A_227 = tpu.memref_squeeze %dma_wait3A_226 : memref<1x512x1024xf32, #tpu.memory_space<vmem>> -> memref<512x1024xf32, #tpu.memory_space<vmem>>
      %dma_wait3A_228 = arith.constant 0 : i32
      %dma_wait3A_229 = tpu.memref_slice %arg2[%select_n3A_215, %mul3A_219, %dma_wait3A_228] : memref<8x1024x1024xf32, #tpu.memory_space<any>> -> memref<1x512x1024xf32, #tpu.memory_space<any>>
      %dma_wait3A_230 = tpu.memref_squeeze %dma_wait3A_229 : memref<1x512x1024xf32, #tpu.memory_space<any>> -> memref<512x1024xf32, #tpu.memory_space<any>>
      tpu.wait_dma2 semaphore(%dma_wait3A_223 : memref<!tpu.dma_semaphore, #tpu.memory_space<semaphore_mem>>) src(%dma_wait3A_230 : memref<512x1024xf32, #tpu.memory_space<any>>) dst(%dma_wait3A_227 : memref<512x1024xf32, #tpu.memory_space<vmem>>)
      %get3A_231 = arith.constant 0 : index
      %get3A_232 = arith.constant 0 : index
      %get3A_233 = vector.load %arg0[%get3A_231, %get3A_232] : memref<128x1xi32, #tpu.memory_space<vmem>>, vector<128x1xi32>
      %eq3A_234 = vector.broadcast %select_n3A_189 : i32 to vector<128x1xi32>
      %eq3A_235 = arith.cmpi eq, %get3A_233, %eq3A_234 : vector<128x1xi32>
      %convert_element_type3A_236 = arith.extui %eq3A_235 : vector<128x1xi1> to vector<128x1xi32>
      %convert_element_type3A_237 = arith.sitofp %convert_element_type3A_236 : vector<128x1xi32> to vector<128x1xf32>
      %mul3A_238 = arith.constant 512 : i32
      %mul3A_239 = arith.muli %rem3A_191, %mul3A_238 : i32
      %get3A_240 = arith.constant 0 : index
      %get3A_241 = arith.index_cast %mul3A_239 : i32 to index
      %get3A_242 = vector.load %arg1[%get3A_240, %get3A_241] : memref<128x1024xf32, #tpu.memory_space<vmem>>, vector<128x512xf32>
      %mul3A_243 = vector.broadcast %convert_element_type3A_237 : vector<128x1xf32> to vector<128x512xf32>
      %mul3A_244 = arith.mulf %get3A_242, %mul3A_243 : vector<128x512xf32>
      %get3A_245 = arith.constant 1 : index
      %get3A_246 = arith.constant 0 : index
      %get3A_247 = arith.constant 0 : index
      %get3A_248 = vector.load %arg4[%get3A_245, %get3A_246, %get3A_247] : memref<4x512x1024xf32, #tpu.memory_space<vmem>>, vector<1x512x1024xf32>
      %get3A_249 = vector.shape_cast %get3A_248 : vector<1x512x1024xf32> to vector<512x1024xf32>
      %dot_general3A_250 = arith.constant dense<0.000000e+00> : vector<128x1024xf32>
      %dot_general3A_251 = tpu.matmul %mul3A_244, %get3A_249, %dot_general3A_250 {dimension_numbers = #tpu.dot_dimension_numbers<[1], [0], [0], [1], [0, 0, 1, 1], [], []>, transpose_lhs_hint = false} : vector<128x512xf32>, vector<512x1024xf32>, vector<128x1024xf32> -> vector<128x1024xf32>
      %eq3A_252 = arith.constant 0 : i32
      %eq3A_253 = arith.cmpi eq, %add3A_165, %eq3A_252 : i32
      %convert_element_type3A_254 = arith.extui %eq3A_253 : i1 to i32
      %cond3A_255 = arith.constant 0 : i32
      %cond3A_256 = arith.cmpi ne, %convert_element_type3A_254, %cond3A_255 : i32
      scf.if %cond3A_256 {
        %swap3A = arith.constant 0 : index
        %swap3A_483 = arith.constant 0 : index
        %swap3A_484 = vector.load %arg3[%swap3A, %swap3A_483] : memref<128x1024xf32, #tpu.memory_space<vmem>>, vector<128x1024xf32>
        tpu.vector_store %arg3[%swap3A, %swap3A_483], %dot_general3A_251 {strides = array<i32>} : memref<128x1024xf32, #tpu.memory_space<vmem>>, vector<128x1024xf32>,
      } else {
      }
      %ne3A_257 = arith.constant 0 : i32
      %ne3A_258 = arith.cmpi ne, %add3A_165, %ne3A_257 : i32
      %convert_element_type3A_259 = arith.extui %ne3A_258 : i1 to i32
      %cond3A_260 = arith.constant 0 : i32
      %cond3A_261 = arith.cmpi ne, %convert_element_type3A_259, %cond3A_260 : i32
      scf.if %cond3A_261 {
        %get3A_483 = arith.constant 0 : index
        %get3A_484 = arith.constant 0 : index
        %get3A_485 = vector.load %arg3[%get3A_483, %get3A_484] : memref<128x1024xf32, #tpu.memory_space<vmem>>, vector<128x1024xf32>
        %add3A_486 = arith.addf %get3A_485, %dot_general3A_251 : vector<128x1024xf32>
        %swap3A = arith.constant 0 : index
        %swap3A_487 = arith.constant 0 : index
        %swap3A_488 = vector.load %arg3[%swap3A, %swap3A_487] : memref<128x1024xf32, #tpu.memory_space<vmem>>, vector<128x1024xf32>
        tpu.vector_store %arg3[%swap3A, %swap3A_487], %add3A_486 {strides = array<i32>} : memref<128x1024xf32, #tpu.memory_space<vmem>>, vector<128x1024xf32>,
      } else {
      }
      %add3A_262 = arith.constant 4 : i32
      %add3A_263 = arith.addi %add3A_165, %add3A_262 : i32
      %lt3A_264 = arith.constant 16 : i32
      %lt3A_265 = arith.cmpi slt, %add3A_263, %lt3A_264 : i32
      %convert_element_type3A_266 = arith.extui %lt3A_265 : i1 to i32
      %cond3A_267 = arith.constant 0 : i32
      %cond3A_268 = arith.cmpi ne, %convert_element_type3A_266, %cond3A_267 : i32
      scf.if %cond3A_268 {
        %jit3A_483 = arith.constant 2 : i32
        %div3A_484 = arith.divsi %add3A_263, %jit3A_483 : i32
        %sign3A_485 = arith.constant 0 : i32
        %sign3A_486 = arith.cmpi sgt, %add3A_263, %sign3A_485 : i32
        %sign3A_487 = arith.extui %sign3A_486 : i1 to i32
        %sign3A_488 = arith.constant 0 : i32
        %sign3A_489 = arith.cmpi slt, %add3A_263, %sign3A_488 : i32
        %sign3A_490 = arith.extui %sign3A_489 : i1 to i32
        %sign3A_491 = arith.subi %sign3A_487, %sign3A_490 : i32
        %sign3A_492 = arith.constant 0 : i32
        %sign3A_493 = arith.cmpi sgt, %jit3A_483, %sign3A_492 : i32
        %sign3A_494 = arith.extui %sign3A_493 : i1 to i32
        %sign3A_495 = arith.constant 0 : i32
        %sign3A_496 = arith.cmpi slt, %jit3A_483, %sign3A_495 : i32
        %sign3A_497 = arith.extui %sign3A_496 : i1 to i32
        %sign3A_498 = arith.subi %sign3A_494, %sign3A_497 : i32
        %ne3A_499 = arith.cmpi ne, %sign3A_491, %sign3A_498 : i32
        %rem3A_500 = arith.remsi %add3A_263, %jit3A_483 : i32
        %ne3A_501 = arith.constant 0 : i32
        %ne3A_502 = arith.cmpi ne, %rem3A_500, %ne3A_501 : i32
        %and3A_503 = arith.andi %ne3A_499, %ne3A_502 : i1
        %sub3A_504 = arith.constant 1 : i32
        %sub3A_505 = arith.subi %div3A_484, %sub3A_504 : i32
        %select_n3A_506 = arith.select %and3A_503, %sub3A_505, %div3A_484 : i32
        %rem3A_507 = arith.constant 2 : i32
        %rem3A_508 = arith.remsi %add3A_263, %rem3A_507 : i32
        %mul3A_509 = arith.constant 512 : i32
        %mul3A_510 = arith.muli %rem3A_508, %mul3A_509 : i32
        %dma_start3A_511 = arith.constant 1 : i32
        %dma_start3A_512 = arith.constant 1 : i32
        %dma_start3A_513 = tpu.memref_slice %arg5[%dma_start3A_512] : memref<4x!tpu.dma_semaphore, #tpu.memory_space<semaphore_mem>> -> memref<1x!tpu.dma_semaphore, #tpu.memory_space<semaphore_mem>>
        %dma_start3A_514 = tpu.memref_squeeze %dma_start3A_513 : memref<1x!tpu.dma_semaphore, #tpu.memory_space<semaphore_mem>> -> memref<!tpu.dma_semaphore, #tpu.memory_space<semaphore_mem>>
        %dma_start3A_515 = arith.constant 0 : i32
        %dma_start3A_516 = arith.constant 0 : i32
        %dma_start3A_517 = tpu.memref_slice %arg4[%dma_start3A_511, %dma_start3A_515, %dma_start3A_516] : memref<4x512x1024xf32, #tpu.memory_space<vmem>> -> memref<1x512x1024xf32, #tpu.memory_space<vmem>>
        %dma_start3A_518 = tpu.memref_squeeze %dma_start3A_517 : memref<1x512x1024xf32, #tpu.memory_space<vmem>> -> memref<512x1024xf32, #tpu.memory_space<vmem>>
        %dma_start3A_519 = arith.constant 0 : i32
        %dma_start3A_520 = tpu.memref_slice %arg2[%select_n3A_506, %mul3A_510, %dma_start3A_519] : memref<8x1024x1024xf32, #tpu.memory_space<any>> -> memref<1x512x1024xf32, #tpu.memory_space<any>>
        %dma_start3A_521 = tpu.memref_squeeze %dma_start3A_520 : memref<1x512x1024xf32, #tpu.memory_space<any>> -> memref<512x1024xf32, #tpu.memory_space<any>>
        tpu.enqueue_dma source(%dma_start3A_521 : memref<512x1024xf32, #tpu.memory_space<any>>) target(%dma_start3A_518 : memref<512x1024xf32, #tpu.memory_space<vmem>>) target_semaphore(%dma_start3A_514 : memref<!tpu.dma_semaphore, #tpu.memory_space<semaphore_mem>>)
      } else {
      }
      %mul3A_269 = arith.constant 4 : i32
      %mul3A_270 = arith.muli %scan3A_69, %mul3A_269 : i32
      %add3A_271 = arith.constant 2 : i32
      %add3A_272 = arith.addi %mul3A_270, %add3A_271 : i32
      %jit3A_273 = arith.constant 2 : i32
      %div3A_274 = arith.divsi %add3A_272, %jit3A_273 : i32
      %sign3A_275 = arith.constant 0 : i32
      %sign3A_276 = arith.cmpi sgt, %add3A_272, %sign3A_275 : i32
      %sign3A_277 = arith.extui %sign3A_276 : i1 to i32
      %sign3A_278 = arith.constant 0 : i32
      %sign3A_279 = arith.cmpi slt, %add3A_272, %sign3A_278 : i32
      %sign3A_280 = arith.extui %sign3A_279 : i1 to i32
      %sign3A_281 = arith.subi %sign3A_277, %sign3A_280 : i32
      %sign3A_282 = arith.constant 0 : i32
      %sign3A_283 = arith.cmpi sgt, %jit3A_273, %sign3A_282 : i32
      %sign3A_284 = arith.extui %sign3A_283 : i1 to i32
      %sign3A_285 = arith.constant 0 : i32
      %sign3A_286 = arith.cmpi slt, %jit3A_273, %sign3A_285 : i32
      %sign3A_287 = arith.extui %sign3A_286 : i1 to i32
      %sign3A_288 = arith.subi %sign3A_284, %sign3A_287 : i32
      %ne3A_289 = arith.cmpi ne, %sign3A_281, %sign3A_288 : i32
      %rem3A_290 = arith.remsi %add3A_272, %jit3A_273 : i32
      %ne3A_291 = arith.constant 0 : i32
      %ne3A_292 = arith.cmpi ne, %rem3A_290, %ne3A_291 : i32
      %and3A_293 = arith.andi %ne3A_289, %ne3A_292 : i1
      %sub3A_294 = arith.constant 1 : i32
      %sub3A_295 = arith.subi %div3A_274, %sub3A_294 : i32
      %select_n3A_296 = arith.select %and3A_293, %sub3A_295, %div3A_274 : i32
      %rem3A_297 = arith.constant 2 : i32
      %rem3A_298 = arith.remsi %add3A_272, %rem3A_297 : i32
      %jit3A_299 = arith.constant 2 : i32
      %div3A_300 = arith.divsi %add3A_272, %jit3A_299 : i32
      %sign3A_301 = arith.constant 0 : i32
      %sign3A_302 = arith.cmpi sgt, %add3A_272, %sign3A_301 : i32
      %sign3A_303 = arith.extui %sign3A_302 : i1 to i32
      %sign3A_304 = arith.constant 0 : i32
      %sign3A_305 = arith.cmpi slt, %add3A_272, %sign3A_304 : i32
      %sign3A_306 = arith.extui %sign3A_305 : i1 to i32
      %sign3A_307 = arith.subi %sign3A_303, %sign3A_306 : i32
      %sign3A_308 = arith.constant 0 : i32
      %sign3A_309 = arith.cmpi sgt, %jit3A_299, %sign3A_308 : i32
      %sign3A_310 = arith.extui %sign3A_309 : i1 to i32
      %sign3A_311 = arith.constant 0 : i32
      %sign3A_312 = arith.cmpi slt, %jit3A_299, %sign3A_311 : i32
      %sign3A_313 = arith.extui %sign3A_312 : i1 to i32
      %sign3A_314 = arith.subi %sign3A_310, %sign3A_313 : i32
      %ne3A_315 = arith.cmpi ne, %sign3A_307, %sign3A_314 : i32
      %rem3A_316 = arith.remsi %add3A_272, %jit3A_299 : i32
      %ne3A_317 = arith.constant 0 : i32
      %ne3A_318 = arith.cmpi ne, %rem3A_316, %ne3A_317 : i32
      %and3A_319 = arith.andi %ne3A_315, %ne3A_318 : i1
      %sub3A_320 = arith.constant 1 : i32
      %sub3A_321 = arith.subi %div3A_300, %sub3A_320 : i32
      %select_n3A_322 = arith.select %and3A_319, %sub3A_321, %div3A_300 : i32
      %rem3A_323 = arith.constant 2 : i32
      %rem3A_324 = arith.remsi %add3A_272, %rem3A_323 : i32
      %mul3A_325 = arith.constant 512 : i32
      %mul3A_326 = arith.muli %rem3A_324, %mul3A_325 : i32
      %dma_wait3A_327 = arith.constant 2 : i32
      %dma_wait3A_328 = arith.constant 2 : i32
      %dma_wait3A_329 = tpu.memref_slice %arg5[%dma_wait3A_328] : memref<4x!tpu.dma_semaphore, #tpu.memory_space<semaphore_mem>> -> memref<1x!tpu.dma_semaphore, #tpu.memory_space<semaphore_mem>>
      %dma_wait3A_330 = tpu.memref_squeeze %dma_wait3A_329 : memref<1x!tpu.dma_semaphore, #tpu.memory_space<semaphore_mem>> -> memref<!tpu.dma_semaphore, #tpu.memory_space<semaphore_mem>>
      %dma_wait3A_331 = arith.constant 0 : i32
      %dma_wait3A_332 = arith.constant 0 : i32
      %dma_wait3A_333 = tpu.memref_slice %arg4[%dma_wait3A_327, %dma_wait3A_331, %dma_wait3A_332] : memref<4x512x1024xf32, #tpu.memory_space<vmem>> -> memref<1x512x1024xf32, #tpu.memory_space<vmem>>
      %dma_wait3A_334 = tpu.memref_squeeze %dma_wait3A_333 : memref<1x512x1024xf32, #tpu.memory_space<vmem>> -> memref<512x1024xf32, #tpu.memory_space<vmem>>
      %dma_wait3A_335 = arith.constant 0 : i32
      %dma_wait3A_336 = tpu.memref_slice %arg2[%select_n3A_322, %mul3A_326, %dma_wait3A_335] : memref<8x1024x1024xf32, #tpu.memory_space<any>> -> memref<1x512x1024xf32, #tpu.memory_space<any>>
      %dma_wait3A_337 = tpu.memref_squeeze %dma_wait3A_336 : memref<1x512x1024xf32, #tpu.memory_space<any>> -> memref<512x1024xf32, #tpu.memory_space<any>>
      tpu.wait_dma2 semaphore(%dma_wait3A_330 : memref<!tpu.dma_semaphore, #tpu.memory_space<semaphore_mem>>) src(%dma_wait3A_337 : memref<512x1024xf32, #tpu.memory_space<any>>) dst(%dma_wait3A_334 : memref<512x1024xf32, #tpu.memory_space<vmem>>)
      %get3A_338 = arith.constant 0 : index
      %get3A_339 = arith.constant 0 : index
      %get3A_340 = vector.load %arg0[%get3A_338, %get3A_339] : memref<128x1xi32, #tpu.memory_space<vmem>>, vector<128x1xi32>
      %eq3A_341 = vector.broadcast %select_n3A_296 : i32 to vector<128x1xi32>
      %eq3A_342 = arith.cmpi eq, %get3A_340, %eq3A_341 : vector<128x1xi32>
      %convert_element_type3A_343 = arith.extui %eq3A_342 : vector<128x1xi1> to vector<128x1xi32>
      %convert_element_type3A_344 = arith.sitofp %convert_element_type3A_343 : vector<128x1xi32> to vector<128x1xf32>
      %mul3A_345 = arith.constant 512 : i32
      %mul3A_346 = arith.muli %rem3A_298, %mul3A_345 : i32
      %get3A_347 = arith.constant 0 : index
      %get3A_348 = arith.index_cast %mul3A_346 : i32 to index
      %get3A_349 = vector.load %arg1[%get3A_347, %get3A_348] : memref<128x1024xf32, #tpu.memory_space<vmem>>, vector<128x512xf32>
      %mul3A_350 = vector.broadcast %convert_element_type3A_344 : vector<128x1xf32> to vector<128x512xf32>
      %mul3A_351 = arith.mulf %get3A_349, %mul3A_350 : vector<128x512xf32>
      %get3A_352 = arith.constant 2 : index
      %get3A_353 = arith.constant 0 : index
      %get3A_354 = arith.constant 0 : index
      %get3A_355 = vector.load %arg4[%get3A_352, %get3A_353, %get3A_354] : memref<4x512x1024xf32, #tpu.memory_space<vmem>>, vector<1x512x1024xf32>
      %get3A_356 = vector.shape_cast %get3A_355 : vector<1x512x1024xf32> to vector<512x1024xf32>
      %dot_general3A_357 = arith.constant dense<0.000000e+00> : vector<128x1024xf32>
      %dot_general3A_358 = tpu.matmul %mul3A_351, %get3A_356, %dot_general3A_357 {dimension_numbers = #tpu.dot_dimension_numbers<[1], [0], [0], [1], [0, 0, 1, 1], [], []>, transpose_lhs_hint = false} : vector<128x512xf32>, vector<512x1024xf32>, vector<128x1024xf32> -> vector<128x1024xf32>
      %eq3A_359 = arith.constant 0 : i32
      %eq3A_360 = arith.cmpi eq, %add3A_272, %eq3A_359 : i32
      %convert_element_type3A_361 = arith.extui %eq3A_360 : i1 to i32
      %cond3A_362 = arith.constant 0 : i32
      %cond3A_363 = arith.cmpi ne, %convert_element_type3A_361, %cond3A_362 : i32
      scf.if %cond3A_363 {
        %swap3A = arith.constant 0 : index
        %swap3A_483 = arith.constant 0 : index
        %swap3A_484 = vector.load %arg3[%swap3A, %swap3A_483] : memref<128x1024xf32, #tpu.memory_space<vmem>>, vector<128x1024xf32>
        tpu.vector_store %arg3[%swap3A, %swap3A_483], %dot_general3A_358 {strides = array<i32>} : memref<128x1024xf32, #tpu.memory_space<vmem>>, vector<128x1024xf32>,
      } else {
      }
      %ne3A_364 = arith.constant 0 : i32
      %ne3A_365 = arith.cmpi ne, %add3A_272, %ne3A_364 : i32
      %convert_element_type3A_366 = arith.extui %ne3A_365 : i1 to i32
      %cond3A_367 = arith.constant 0 : i32
      %cond3A_368 = arith.cmpi ne, %convert_element_type3A_366, %cond3A_367 : i32
      scf.if %cond3A_368 {
        %get3A_483 = arith.constant 0 : index
        %get3A_484 = arith.constant 0 : index
        %get3A_485 = vector.load %arg3[%get3A_483, %get3A_484] : memref<128x1024xf32, #tpu.memory_space<vmem>>, vector<128x1024xf32>
        %add3A_486 = arith.addf %get3A_485, %dot_general3A_358 : vector<128x1024xf32>
        %swap3A = arith.constant 0 : index
        %swap3A_487 = arith.constant 0 : index
        %swap3A_488 = vector.load %arg3[%swap3A, %swap3A_487] : memref<128x1024xf32, #tpu.memory_space<vmem>>, vector<128x1024xf32>
        tpu.vector_store %arg3[%swap3A, %swap3A_487], %add3A_486 {strides = array<i32>} : memref<128x1024xf32, #tpu.memory_space<vmem>>, vector<128x1024xf32>,
      } else {
      }
      %add3A_369 = arith.constant 4 : i32
      %add3A_370 = arith.addi %add3A_272, %add3A_369 : i32
      %lt3A_371 = arith.constant 16 : i32
      %lt3A_372 = arith.cmpi slt, %add3A_370, %lt3A_371 : i32
      %convert_element_type3A_373 = arith.extui %lt3A_372 : i1 to i32
      %cond3A_374 = arith.constant 0 : i32
      %cond3A_375 = arith.cmpi ne, %convert_element_type3A_373, %cond3A_374 : i32
      scf.if %cond3A_375 {
        %jit3A_483 = arith.constant 2 : i32
        %div3A_484 = arith.divsi %add3A_370, %jit3A_483 : i32
        %sign3A_485 = arith.constant 0 : i32
        %sign3A_486 = arith.cmpi sgt, %add3A_370, %sign3A_485 : i32
        %sign3A_487 = arith.extui %sign3A_486 : i1 to i32
        %sign3A_488 = arith.constant 0 : i32
        %sign3A_489 = arith.cmpi slt, %add3A_370, %sign3A_488 : i32
        %sign3A_490 = arith.extui %sign3A_489 : i1 to i32
        %sign3A_491 = arith.subi %sign3A_487, %sign3A_490 : i32
        %sign3A_492 = arith.constant 0 : i32
        %sign3A_493 = arith.cmpi sgt, %jit3A_483, %sign3A_492 : i32
        %sign3A_494 = arith.extui %sign3A_493 : i1 to i32
        %sign3A_495 = arith.constant 0 : i32
        %sign3A_496 = arith.cmpi slt, %jit3A_483, %sign3A_495 : i32
        %sign3A_497 = arith.extui %sign3A_496 : i1 to i32
        %sign3A_498 = arith.subi %sign3A_494, %sign3A_497 : i32
        %ne3A_499 = arith.cmpi ne, %sign3A_491, %sign3A_498 : i32
        %rem3A_500 = arith.remsi %add3A_370, %jit3A_483 : i32
        %ne3A_501 = arith.constant 0 : i32
        %ne3A_502 = arith.cmpi ne, %rem3A_500, %ne3A_501 : i32
        %and3A_503 = arith.andi %ne3A_499, %ne3A_502 : i1
        %sub3A_504 = arith.constant 1 : i32
        %sub3A_505 = arith.subi %div3A_484, %sub3A_504 : i32
        %select_n3A_506 = arith.select %and3A_503, %sub3A_505, %div3A_484 : i32
        %rem3A_507 = arith.constant 2 : i32
        %rem3A_508 = arith.remsi %add3A_370, %rem3A_507 : i32
        %mul3A_509 = arith.constant 512 : i32
        %mul3A_510 = arith.muli %rem3A_508, %mul3A_509 : i32
        %dma_start3A_511 = arith.constant 2 : i32
        %dma_start3A_512 = arith.constant 2 : i32
        %dma_start3A_513 = tpu.memref_slice %arg5[%dma_start3A_512] : memref<4x!tpu.dma_semaphore, #tpu.memory_space<semaphore_mem>> -> memref<1x!tpu.dma_semaphore, #tpu.memory_space<semaphore_mem>>
        %dma_start3A_514 = tpu.memref_squeeze %dma_start3A_513 : memref<1x!tpu.dma_semaphore, #tpu.memory_space<semaphore_mem>> -> memref<!tpu.dma_semaphore, #tpu.memory_space<semaphore_mem>>
        %dma_start3A_515 = arith.constant 0 : i32
        %dma_start3A_516 = arith.constant 0 : i32
        %dma_start3A_517 = tpu.memref_slice %arg4[%dma_start3A_511, %dma_start3A_515, %dma_start3A_516] : memref<4x512x1024xf32, #tpu.memory_space<vmem>> -> memref<1x512x1024xf32, #tpu.memory_space<vmem>>
        %dma_start3A_518 = tpu.memref_squeeze %dma_start3A_517 : memref<1x512x1024xf32, #tpu.memory_space<vmem>> -> memref<512x1024xf32, #tpu.memory_space<vmem>>
        %dma_start3A_519 = arith.constant 0 : i32
        %dma_start3A_520 = tpu.memref_slice %arg2[%select_n3A_506, %mul3A_510, %dma_start3A_519] : memref<8x1024x1024xf32, #tpu.memory_space<any>> -> memref<1x512x1024xf32, #tpu.memory_space<any>>
        %dma_start3A_521 = tpu.memref_squeeze %dma_start3A_520 : memref<1x512x1024xf32, #tpu.memory_space<any>> -> memref<512x1024xf32, #tpu.memory_space<any>>
        tpu.enqueue_dma source(%dma_start3A_521 : memref<512x1024xf32, #tpu.memory_space<any>>) target(%dma_start3A_518 : memref<512x1024xf32, #tpu.memory_space<vmem>>) target_semaphore(%dma_start3A_514 : memref<!tpu.dma_semaphore, #tpu.memory_space<semaphore_mem>>)
      } else {
      }
      %mul3A_376 = arith.constant 4 : i32
      %mul3A_377 = arith.muli %scan3A_69, %mul3A_376 : i32
      %add3A_378 = arith.constant 3 : i32
      %add3A_379 = arith.addi %mul3A_377, %add3A_378 : i32
      %jit3A_380 = arith.constant 2 : i32
      %div3A_381 = arith.divsi %add3A_379, %jit3A_380 : i32
      %sign3A_382 = arith.constant 0 : i32
      %sign3A_383 = arith.cmpi sgt, %add3A_379, %sign3A_382 : i32
      %sign3A_384 = arith.extui %sign3A_383 : i1 to i32
      %sign3A_385 = arith.constant 0 : i32
      %sign3A_386 = arith.cmpi slt, %add3A_379, %sign3A_385 : i32
      %sign3A_387 = arith.extui %sign3A_386 : i1 to i32
      %sign3A_388 = arith.subi %sign3A_384, %sign3A_387 : i32
      %sign3A_389 = arith.constant 0 : i32
      %sign3A_390 = arith.cmpi sgt, %jit3A_380, %sign3A_389 : i32
      %sign3A_391 = arith.extui %sign3A_390 : i1 to i32
      %sign3A_392 = arith.constant 0 : i32
      %sign3A_393 = arith.cmpi slt, %jit3A_380, %sign3A_392 : i32
      %sign3A_394 = arith.extui %sign3A_393 : i1 to i32
      %sign3A_395 = arith.subi %sign3A_391, %sign3A_394 : i32
      %ne3A_396 = arith.cmpi ne, %sign3A_388, %sign3A_395 : i32
      %rem3A_397 = arith.remsi %add3A_379, %jit3A_380 : i32
      %ne3A_398 = arith.constant 0 : i32
      %ne3A_399 = arith.cmpi ne, %rem3A_397, %ne3A_398 : i32
      %and3A_400 = arith.andi %ne3A_396, %ne3A_399 : i1
      %sub3A_401 = arith.constant 1 : i32
      %sub3A_402 = arith.subi %div3A_381, %sub3A_401 : i32
      %select_n3A_403 = arith.select %and3A_400, %sub3A_402, %div3A_381 : i32
      %rem3A_404 = arith.constant 2 : i32
      %rem3A_405 = arith.remsi %add3A_379, %rem3A_404 : i32
      %jit3A_406 = arith.constant 2 : i32
      %div3A_407 = arith.divsi %add3A_379, %jit3A_406 : i32
      %sign3A_408 = arith.constant 0 : i32
      %sign3A_409 = arith.cmpi sgt, %add3A_379, %sign3A_408 : i32
      %sign3A_410 = arith.extui %sign3A_409 : i1 to i32
      %sign3A_411 = arith.constant 0 : i32
      %sign3A_412 = arith.cmpi slt, %add3A_379, %sign3A_411 : i32
      %sign3A_413 = arith.extui %sign3A_412 : i1 to i32
      %sign3A_414 = arith.subi %sign3A_410, %sign3A_413 : i32
      %sign3A_415 = arith.constant 0 : i32
      %sign3A_416 = arith.cmpi sgt, %jit3A_406, %sign3A_415 : i32
      %sign3A_417 = arith.extui %sign3A_416 : i1 to i32
      %sign3A_418 = arith.constant 0 : i32
      %sign3A_419 = arith.cmpi slt, %jit3A_406, %sign3A_418 : i32
      %sign3A_420 = arith.extui %sign3A_419 : i1 to i32
      %sign3A_421 = arith.subi %sign3A_417, %sign3A_420 : i32
      %ne3A_422 = arith.cmpi ne, %sign3A_414, %sign3A_421 : i32
      %rem3A_423 = arith.remsi %add3A_379, %jit3A_406 : i32
      %ne3A_424 = arith.constant 0 : i32
      %ne3A_425 = arith.cmpi ne, %rem3A_423, %ne3A_424 : i32
      %and3A_426 = arith.andi %ne3A_422, %ne3A_425 : i1
      %sub3A_427 = arith.constant 1 : i32
      %sub3A_428 = arith.subi %div3A_407, %sub3A_427 : i32
      %select_n3A_429 = arith.select %and3A_426, %sub3A_428, %div3A_407 : i32
      %rem3A_430 = arith.constant 2 : i32
      %rem3A_431 = arith.remsi %add3A_379, %rem3A_430 : i32
      %mul3A_432 = arith.constant 512 : i32
      %mul3A_433 = arith.muli %rem3A_431, %mul3A_432 : i32
      %dma_wait3A_434 = arith.constant 3 : i32
      %dma_wait3A_435 = arith.constant 3 : i32
      %dma_wait3A_436 = tpu.memref_slice %arg5[%dma_wait3A_435] : memref<4x!tpu.dma_semaphore, #tpu.memory_space<semaphore_mem>> -> memref<1x!tpu.dma_semaphore, #tpu.memory_space<semaphore_mem>>
      %dma_wait3A_437 = tpu.memref_squeeze %dma_wait3A_436 : memref<1x!tpu.dma_semaphore, #tpu.memory_space<semaphore_mem>> -> memref<!tpu.dma_semaphore, #tpu.memory_space<semaphore_mem>>
      %dma_wait3A_438 = arith.constant 0 : i32
      %dma_wait3A_439 = arith.constant 0 : i32
      %dma_wait3A_440 = tpu.memref_slice %arg4[%dma_wait3A_434, %dma_wait3A_438, %dma_wait3A_439] : memref<4x512x1024xf32, #tpu.memory_space<vmem>> -> memref<1x512x1024xf32, #tpu.memory_space<vmem>>
      %dma_wait3A_441 = tpu.memref_squeeze %dma_wait3A_440 : memref<1x512x1024xf32, #tpu.memory_space<vmem>> -> memref<512x1024xf32, #tpu.memory_space<vmem>>
      %dma_wait3A_442 = arith.constant 0 : i32
      %dma_wait3A_443 = tpu.memref_slice %arg2[%select_n3A_429, %mul3A_433, %dma_wait3A_442] : memref<8x1024x1024xf32, #tpu.memory_space<any>> -> memref<1x512x1024xf32, #tpu.memory_space<any>>
      %dma_wait3A_444 = tpu.memref_squeeze %dma_wait3A_443 : memref<1x512x1024xf32, #tpu.memory_space<any>> -> memref<512x1024xf32, #tpu.memory_space<any>>
      tpu.wait_dma2 semaphore(%dma_wait3A_437 : memref<!tpu.dma_semaphore, #tpu.memory_space<semaphore_mem>>) src(%dma_wait3A_444 : memref<512x1024xf32, #tpu.memory_space<any>>) dst(%dma_wait3A_441 : memref<512x1024xf32, #tpu.memory_space<vmem>>)
      %get3A_445 = arith.constant 0 : index
      %get3A_446 = arith.constant 0 : index
      %get3A_447 = vector.load %arg0[%get3A_445, %get3A_446] : memref<128x1xi32, #tpu.memory_space<vmem>>, vector<128x1xi32>
      %eq3A_448 = vector.broadcast %select_n3A_403 : i32 to vector<128x1xi32>
      %eq3A_449 = arith.cmpi eq, %get3A_447, %eq3A_448 : vector<128x1xi32>
      %convert_element_type3A_450 = arith.extui %eq3A_449 : vector<128x1xi1> to vector<128x1xi32>
      %convert_element_type3A_451 = arith.sitofp %convert_element_type3A_450 : vector<128x1xi32> to vector<128x1xf32>
      %mul3A_452 = arith.constant 512 : i32
      %mul3A_453 = arith.muli %rem3A_405, %mul3A_452 : i32
      %get3A_454 = arith.constant 0 : index
      %get3A_455 = arith.index_cast %mul3A_453 : i32 to index
      %get3A_456 = vector.load %arg1[%get3A_454, %get3A_455] : memref<128x1024xf32, #tpu.memory_space<vmem>>, vector<128x512xf32>
      %mul3A_457 = vector.broadcast %convert_element_type3A_451 : vector<128x1xf32> to vector<128x512xf32>
      %mul3A_458 = arith.mulf %get3A_456, %mul3A_457 : vector<128x512xf32>
      %get3A_459 = arith.constant 3 : index
      %get3A_460 = arith.constant 0 : index
      %get3A_461 = arith.constant 0 : index
      %get3A_462 = vector.load %arg4[%get3A_459, %get3A_460, %get3A_461] : memref<4x512x1024xf32, #tpu.memory_space<vmem>>, vector<1x512x1024xf32>
      %get3A_463 = vector.shape_cast %get3A_462 : vector<1x512x1024xf32> to vector<512x1024xf32>
      %dot_general3A_464 = arith.constant dense<0.000000e+00> : vector<128x1024xf32>
      %dot_general3A_465 = tpu.matmul %mul3A_458, %get3A_463, %dot_general3A_464 {dimension_numbers = #tpu.dot_dimension_numbers<[1], [0], [0], [1], [0, 0, 1, 1], [], []>, transpose_lhs_hint = false} : vector<128x512xf32>, vector<512x1024xf32>, vector<128x1024xf32> -> vector<128x1024xf32>
      %eq3A_466 = arith.constant 0 : i32
      %eq3A_467 = arith.cmpi eq, %add3A_379, %eq3A_466 : i32
      %convert_element_type3A_468 = arith.extui %eq3A_467 : i1 to i32
      %cond3A_469 = arith.constant 0 : i32
      %cond3A_470 = arith.cmpi ne, %convert_element_type3A_468, %cond3A_469 : i32
      scf.if %cond3A_470 {
        %swap3A = arith.constant 0 : index
        %swap3A_483 = arith.constant 0 : index
        %swap3A_484 = vector.load %arg3[%swap3A, %swap3A_483] : memref<128x1024xf32, #tpu.memory_space<vmem>>, vector<128x1024xf32>
        tpu.vector_store %arg3[%swap3A, %swap3A_483], %dot_general3A_465 {strides = array<i32>} : memref<128x1024xf32, #tpu.memory_space<vmem>>, vector<128x1024xf32>,
      } else {
      }
      %ne3A_471 = arith.constant 0 : i32
      %ne3A_472 = arith.cmpi ne, %add3A_379, %ne3A_471 : i32
      %convert_element_type3A_473 = arith.extui %ne3A_472 : i1 to i32
      %cond3A_474 = arith.constant 0 : i32
      %cond3A_475 = arith.cmpi ne, %convert_element_type3A_473, %cond3A_474 : i32
      scf.if %cond3A_475 {
        %get3A_483 = arith.constant 0 : index
        %get3A_484 = arith.constant 0 : index
        %get3A_485 = vector.load %arg3[%get3A_483, %get3A_484] : memref<128x1024xf32, #tpu.memory_space<vmem>>, vector<128x1024xf32>
        %add3A_486 = arith.addf %get3A_485, %dot_general3A_465 : vector<128x1024xf32>
        %swap3A = arith.constant 0 : index
        %swap3A_487 = arith.constant 0 : index
        %swap3A_488 = vector.load %arg3[%swap3A, %swap3A_487] : memref<128x1024xf32, #tpu.memory_space<vmem>>, vector<128x1024xf32>
        tpu.vector_store %arg3[%swap3A, %swap3A_487], %add3A_486 {strides = array<i32>} : memref<128x1024xf32, #tpu.memory_space<vmem>>, vector<128x1024xf32>,
      } else {
      }
      %add3A_476 = arith.constant 4 : i32
      %add3A_477 = arith.addi %add3A_379, %add3A_476 : i32
      %lt3A_478 = arith.constant 16 : i32
      %lt3A_479 = arith.cmpi slt, %add3A_477, %lt3A_478 : i32
      %convert_element_type3A_480 = arith.extui %lt3A_479 : i1 to i32
      %cond3A_481 = arith.constant 0 : i32
      %cond3A_482 = arith.cmpi ne, %convert_element_type3A_480, %cond3A_481 : i32
      scf.if %cond3A_482 {
        %jit3A_483 = arith.constant 2 : i32
        %div3A_484 = arith.divsi %add3A_477, %jit3A_483 : i32
        %sign3A_485 = arith.constant 0 : i32
        %sign3A_486 = arith.cmpi sgt, %add3A_477, %sign3A_485 : i32
        %sign3A_487 = arith.extui %sign3A_486 : i1 to i32
        %sign3A_488 = arith.constant 0 : i32
        %sign3A_489 = arith.cmpi slt, %add3A_477, %sign3A_488 : i32
        %sign3A_490 = arith.extui %sign3A_489 : i1 to i32
        %sign3A_491 = arith.subi %sign3A_487, %sign3A_490 : i32
        %sign3A_492 = arith.constant 0 : i32
        %sign3A_493 = arith.cmpi sgt, %jit3A_483, %sign3A_492 : i32
        %sign3A_494 = arith.extui %sign3A_493 : i1 to i32
        %sign3A_495 = arith.constant 0 : i32
        %sign3A_496 = arith.cmpi slt, %jit3A_483, %sign3A_495 : i32
        %sign3A_497 = arith.extui %sign3A_496 : i1 to i32
        %sign3A_498 = arith.subi %sign3A_494, %sign3A_497 : i32
        %ne3A_499 = arith.cmpi ne, %sign3A_491, %sign3A_498 : i32
        %rem3A_500 = arith.remsi %add3A_477, %jit3A_483 : i32
        %ne3A_501 = arith.constant 0 : i32
        %ne3A_502 = arith.cmpi ne, %rem3A_500, %ne3A_501 : i32
        %and3A_503 = arith.andi %ne3A_499, %ne3A_502 : i1
        %sub3A_504 = arith.constant 1 : i32
        %sub3A_505 = arith.subi %div3A_484, %sub3A_504 : i32
        %select_n3A_506 = arith.select %and3A_503, %sub3A_505, %div3A_484 : i32
        %rem3A_507 = arith.constant 2 : i32
        %rem3A_508 = arith.remsi %add3A_477, %rem3A_507 : i32
        %mul3A_509 = arith.constant 512 : i32
        %mul3A_510 = arith.muli %rem3A_508, %mul3A_509 : i32
        %dma_start3A_511 = arith.constant 3 : i32
        %dma_start3A_512 = arith.constant 3 : i32
        %dma_start3A_513 = tpu.memref_slice %arg5[%dma_start3A_512] : memref<4x!tpu.dma_semaphore, #tpu.memory_space<semaphore_mem>> -> memref<1x!tpu.dma_semaphore, #tpu.memory_space<semaphore_mem>>
        %dma_start3A_514 = tpu.memref_squeeze %dma_start3A_513 : memref<1x!tpu.dma_semaphore, #tpu.memory_space<semaphore_mem>> -> memref<!tpu.dma_semaphore, #tpu.memory_space<semaphore_mem>>
        %dma_start3A_515 = arith.constant 0 : i32
        %dma_start3A_516 = arith.constant 0 : i32
        %dma_start3A_517 = tpu.memref_slice %arg4[%dma_start3A_511, %dma_start3A_515, %dma_start3A_516] : memref<4x512x1024xf32, #tpu.memory_space<vmem>> -> memref<1x512x1024xf32, #tpu.memory_space<vmem>>
        %dma_start3A_518 = tpu.memref_squeeze %dma_start3A_517 : memref<1x512x1024xf32, #tpu.memory_space<vmem>> -> memref<512x1024xf32, #tpu.memory_space<vmem>>
        %dma_start3A_519 = arith.constant 0 : i32
        %dma_start3A_520 = tpu.memref_slice %arg2[%select_n3A_506, %mul3A_510, %dma_start3A_519] : memref<8x1024x1024xf32, #tpu.memory_space<any>> -> memref<1x512x1024xf32, #tpu.memory_space<any>>
        %dma_start3A_521 = tpu.memref_squeeze %dma_start3A_520 : memref<1x512x1024xf32, #tpu.memory_space<any>> -> memref<512x1024xf32, #tpu.memory_space<any>>
        tpu.enqueue_dma source(%dma_start3A_521 : memref<512x1024xf32, #tpu.memory_space<any>>) target(%dma_start3A_518 : memref<512x1024xf32, #tpu.memory_space<vmem>>) target_semaphore(%dma_start3A_514 : memref<!tpu.dma_semaphore, #tpu.memory_space<semaphore_mem>>)
      } else {
      }
    }
    %scan3A_68 = arith.constant 4 : i32
    return
  }
}

</mosaic_0001>

<sc_bundles>
// kernel: kernel.4.cloned.1.call-start
scs
__scs_entry_jumppad:
0x0: {  	(pc) =	sbr.rel $0x88, $3  }
0x1: {  	(tag) =	ssettag $0x0;
	lr =	simm.s32 $0x1  }
0x2: {  	[smem:$0x3F9D] =	sst lr;
	_ =	strace $0xD0000000  }
0x3: {  	_ = 	snop  }
0x4: {  	_ = 	snop  }
0x5: {  	_ = 	snop  }
0x6: {  	_ = 	snop  }
0x7: {  	_ = 	snop  }
__scs_overlays_trampoline_lowered:
0x8: {  	[smem:$0x3FAC] =	sst s0  }
0x9: {  	[smem:$0x3FAD] =	sst s1  }
0xa: {  	[smem:$0x3FAE] =	sst s2  }
0xb: {  	[smem:$0x3FAF] =	sst s3  }
0xc: {  	[smem:$0x3FB0] =	sst s4  }
0xd: {  	[smem:$0x3FB1] =	sst s5  }
0xe: {  	[smem:$0x3FB2] =	sst s6  }
0xf: {  	[smem:$0x3FB3] =	sst s7  }
0x10: {  	[smem:$0x3FB4] =	sst s8  }
0x11: {  	[smem:$0x3FB5] =	sst s9;
	s0 =	simm.s32 @!p0 $0x0  }
0x12: {  	s1 =	sld [smem:$0x3F9B];
	s0 =	simm.s32 @p0 $0x1  }
0x13: {  	[smem:$0x3FB6] =	sst s0;
	s0 =	simm.s32 @!p1 $0x0  }
0x14: {  	s2 =	sld [smem:$0x3F9A];
	s0 =	simm.s32 @p1 $0x1  }
0x15: {  	[smem:$0x3FB7] =	sst s0;
	s0 =	simm.s32 @!p2 $0x0  }
0x16: {  	s3 =	sld [smem:$0x3FDB];
	s0 =	simm.s32 @p2 $0x1  }
0x17: {  	s4 =	simm.s32 $0x1BF5;
	[smem:$0x3FB9] =	sst s0  }
0x18: {  	s0 =	sld [smem:$0x3F9C];
	_ =	swait.ge [sflag:s4], $0x0  }
0x19: {  	s7 =	sld [smem:$0x3F9D]  }
0x1a: {  	s8 =	sadd.s32 $0xFFFFE003, lr  }
0x1b: {  	s9 =	sadd.s32 $0xFFFFFEF7, lr;
	s5 =	simm.s32 $0xFFFFFFFF;
	p2 =	slt.u32 s8, $0xFFFFF086  }
0x1c: {  	p1 =	slt.u32 s9, $0xF7A;
	s5 =	simm.s32 @!p2 $0x0  }
0x1d: {  	s5 =	simm.s32 @p1 $0x1;
	p0 =	seq.s32 s7, s2  }
0x1e: {  	s7 =	smul.u32 @!p0 $0xF7A, s2;
	p2 =	seq.s32 @!p0 s5, $0x0  }
0x1f: {  	s9 =	smul.u32 $0xF7A, s1;
	s8 =	simm.s32 @!p0 $0x1BF5;
	p2 =	por !p2, p0  }
0x20: {  	[sflag:s8] =	ssyncset.s32 @!p0 $0xFFFFF086;
	s6 =	sadd.s32 @!p0 s3, s7;
	s7 =	simm.s32 @!p0 $0x108  }
0x21: {  	s3 =	sadd.s32 s3, s9;
	s6 =	sadd.s32 @!p0 $0x88, s6;
	s7 =	simm.s32 @p2 $0x1082  }
0x22: {  	[simem:s7], [sflag:s8] =	dma.local @!p0 [hbm:s6], $0xF7A  }
0x23: {  	s9 =	sor.u32 $0xD0000000, s2;
	s6 =	simm.s32 $0x108;
	_ =	swait.ge @!p0 [sflag:s8], $0x0  }
0x24: {  	s3 =	sadd.s32 $0x88, s3;
	s6 =	simm.s32 @!p1 $0x1082;
	[sflag:s4] =	ssyncset.s32 $0xFFFFF086  }
0x25: {  	[simem:s6], [sflag:s4] =	dma.local [hbm:s3], $0xF7A  }
0x26: {  	[smem:$0x3F9D] =	sst s1;
	(tag) =	ssettag s2;
	_ =	strace s9  }
0x27: {  	s1 =	sld [smem:$0x3FAD]  }
0x28: {  	s2 =	sld [smem:$0x3FAE]  }
0x29: {  	s4 =	sld [smem:$0x3FB0]  }
0x2a: {  	p0 =	seq.s32 s5, $0x0;
	s5 =	sld [smem:$0x3FB1]  }
0x2b: {  	s6 =	sld [smem:$0x3FB2]  }
0x2c: {  	s7 =	sld [smem:$0x3FB3]  }
0x2d: {  	s3 =	simm.s32 $0x108;
	s8 =	sld [smem:$0x3FB4]  }
0x2e: {  	s3 =	simm.s32 @!p0 $0x1082;
	s9 =	sld [smem:$0x3FB5]  }
0x2f: {  	lr =	sadd.s32 s0, s3;
	s0 =	sld [smem:$0x3FAC]  }
0x30: {  	s3 =	sld [smem:$0x3FAF]  }
0x31: {  	[smem:$0x3FB8] =	sst s10  }
0x32: {  	s10 =	sld [smem:$0x3FB6];
	_ =	sdelay $0x3  }
0x33: {  	p0 =	seq.s32 s10, $0x1;
	s10 =	sld [smem:$0x3FB8];
	_ =	sdelay $0x3  }
0x34: {  	[smem:$0x3FB8] =	sst s10  }
0x35: {  	s10 =	sld [smem:$0x3FB7];
	_ =	sdelay $0x3  }
0x36: {  	p1 =	seq.s32 s10, $0x1;
	s10 =	sld [smem:$0x3FB8];
	_ =	sdelay $0x3  }
0x37: {  	[smem:$0x3FB8] =	sst s10  }
0x38: {  	s10 =	sld [smem:$0x3FB9]  }
0x39: {  	_ = 	snop;
	(pc) =	sbr.ind lr, $3  }
0x3a: {  	_ = 	snop  }
0x3b: {  	_ = 	snop  }
0x3c: {  	p2 =	seq.s32 s10, $0x1;
	s10 =	sld [smem:$0x3FB8]  }
0x3d: {  	_ =	shalt  }
0x3e: {  	_ =	shalt  }
0x3f: {  	_ =	shalt  }
0x40: {  	_ =	shalt  }
0x41: {  	_ =	shalt  }
0x42: {  	_ =	shalt  }
0x43: {  	_ =	shalt  }
0x44: {  	_ =	shalt  }
0x45: {  	_ =	shalt  }
0x46: {  	_ =	shalt  }
0x47: {  	_ =	shalt  }
0x48: {  	_ =	shalt  }
0x49: {  	_ =	shalt  }
0x4a: {  	_ =	shalt  }
0x4b: {  	_ =	shalt  }
0x4c: {  	_ =	shalt  }
0x4d: {  	_ =	shalt  }
0x4e: {  	_ =	shalt  }
0x4f: {  	_ =	shalt  }
0x50: {  	_ =	shalt  }
0x51: {  	_ =	shalt  }
0x52: {  	_ =	shalt  }
0x53: {  	_ =	shalt  }
0x54: {  	_ =	shalt  }
0x55: {  	_ =	shalt  }
0x56: {  	_ =	shalt  }
0x57: {  	_ =	shalt  }
0x58: {  	_ =	shalt  }
0x59: {  	_ =	shalt  }
0x5a: {  	_ =	shalt  }
0x5b: {  	_ =	shalt  }
0x5c: {  	_ =	shalt  }
0x5d: {  	_ =	shalt  }
0x5e: {  	_ =	shalt  }
0x5f: {  	_ =	shalt  }
0x60: {  	_ =	shalt  }
0x61: {  	_ =	shalt  }
0x62: {  	_ =	shalt  }
0x63: {  	_ =	shalt  }
0x64: {  	_ =	shalt  }
0x65: {  	_ =	shalt  }
0x66: {  	_ =	shalt  }
0x67: {  	_ =	shalt  }
0x68: {  	_ =	shalt  }
0x69: {  	_ =	shalt  }
0x6a: {  	_ =	shalt  }
0x6b: {  	_ =	shalt  }
0x6c: {  	_ =	shalt  }
0x6d: {  	_ =	shalt  }
0x6e: {  	_ =	shalt  }
0x6f: {  	_ =	shalt  }
0x70: {  	_ =	shalt  }
0x71: {  	_ =	shalt  }
0x72: {  	_ =	shalt  }
0x73: {  	_ =	shalt  }
0x74: {  	_ =	shalt  }
0x75: {  	_ =	shalt  }
0x76: {  	_ =	shalt  }
0x77: {  	_ =	shalt  }
0x78: {  	_ =	shalt  }
0x79: {  	_ =	shalt  }
0x7a: {  	_ =	shalt  }
0x7b: {  	_ =	shalt  }
0x7c: {  	_ =	shalt  }
0x7d: {  	_ =	shalt  }
0x7e: {  	_ =	shalt  }
0x7f: {  	_ =	shalt  }
0x80: {  	_ =	shalt  }
0x81: {  	_ =	shalt  }
0x82: {  	_ =	shalt  }
0x83: {  	_ =	shalt  }
0x84: {  	_ =	shalt  }
0x85: {  	_ =	shalt  }
0x86: {  	_ =	shalt  }
0x87: {  	_ =	shalt  }
.Lfunc_end0:
.L_simem_size_0:
called_computation_lowered:
.L_overlay_start_0:
0x88: {  	s2 =	sld [smem:$0x3FD9]  }
0x89: {  	s3 =	sld [smem:$0x3FFE];
	_ =	sdelay $0x1  }
0x8a: {  	s1 =	srdreg.scid  }
0x8b: {  	s0 =	sand.u32 $0x1, s1  }
0x8c: {  	s18 =	sshll.u32 s0, $0xA;
	s2 =	sadd.s32 s3, s2  }
0x8d: {  	s2 =	sadd.s32 s2, s18  }
0x8e: {  	[smem:$0x3FC4] =	sst s2  }
0x8f: {  	_ = 	snop  }
0x90: {  	s2 =	sld [smem:$0x3FC8]  }
0x91: {  	s19 =	sld [smem:$0x3FC6]  }
0x92: {  	s4 =	sld [smem:$0x3FD0];
	(tm) =	ssettm $0x1  }
0x93: {  	s5 =	sld [smem:$0x3FFB];
	_ =	sdelay $0x3  }
0x94: {  	_ =	strace s5  }
0x95: {  	s5 =	sld [smem:$0x3FFC];
	_ =	sdelay $0x3  }
0x96: {  	_ =	strace s5  }
0x97: {  	s5 =	sld [smem:$0x3FFD];
	_ =	sdelay $0x3  }
0x98: {  	_ =	strace s5  }
0x99: {  	_ =	strace $0x8FFFFFFF  }
0x9a: {  	s20 =	sld [smem:$0x3FDB];
	_ =	sdelay $0x1  }
0x9b: {  	s6 =	simm.s32 $_scs_section_size  }
0x9c: {  	s7 =	simm.s32 $_size__tile_overlayer_lowered;
	s8 =	simm.s32 $_tile_overlayer_lowered  }
0x9d: {  	s23 =	simm.s32 $0x1BFF;
	s22 =	sshll.u32 s8, $0x1;
	s5 =	sadd.s32 s6, s20  }
0x9e: {  	s9 =	simm.s32 $0x0;
	s21 =	sshll.u32 s7, $0x1;
	s7 =	sadd.s32 s22, s5  }
0x9f: {  	[timem:s9], [sflag:s23] =	dma.local [hbm:s7], s21  }
0xa0: {  	_ =	swait.ge [sflag:s23], s21  }
0xa1: {  	s6 =	ssub.s32 $0x0, s21;
	[sflag:s23] =	ssyncset.done $0x0  }
0xa2: {  	[sflag:s23] =	ssyncadd.s32 s6;
	_ =	sdelay $0x1  }
0xa3: {  	s24 =	simm.s32 $0x1B8B  }
0xa4: {  	_ =	swait.ge [sflag:s24], $0x1  }
0xa5: {  	[sflag:s24] =	ssyncset.done $0x0  }
0xa6: {  	s25 =	simm.s32 $0x1B8E;
	[sflag:s24] =	ssyncadd.s32 $0xFFFFFFFF  }
0xa7: {  	s26 =	simm.s32 $execute0_lowered;
	[smem:$0x3FD2] =	sst s25  }
0xa8: {  	s6 =	sshll.u32 s26, $0x1;
	_ =	strace $0x80000046;
	[dreg:$0x1] =	wrdreg $0xFFFFFFFF  }
0xa9: {  	s28 =	simm.s32 $_size_execute0_lowered;
	s5 =	sadd.s32 s5, s6;
	[dreg:$0x0] =	wrdreg $0x0  }
0xaa: {  	s6 =	sshll.u32 s28, $0x1;
	[dreg:$0x2] =	wrdreg s5  }
0xab: {  	[dreg:$0x3] =	wrdreg s6  }
0xac: {  	[dreg:$0x4] =	wrdreg $0xC0  }
0xad: {  	_ =	task [dreg:s9], $0x5FFFF  }
0xae: {  	[dreg:$0x1] =	wrdreg $0xFFFFFFFF  }
0xaf: {  	[dreg:$0x0] =	wrdreg $0x60  }
0xb0: {  	[dreg:$0x2] =	wrdreg s19  }
0xb1: {  	[dreg:$0x3] =	wrdreg s2  }
0xb2: {  	[dreg:$0x4] =	wrdreg s4  }
0xb3: {  	[dreg:$0x5] =	wrdreg $0x9  }
0xb4: {  	_ =	task.clear_ibuf [dreg:s9], $0x6FFFF;
	_ =	strace $0x90000046  }
0xb5: {  	s29 =	simm.s32 $0x9;
	_ =	strace $0x80000048  }
0xb6: {  	_ =	swait.ge [sflag:s29], $0x1  }
0xb7: {  	[sflag:s29] =	ssyncadd.s32 $0xFFFFFFFF  }
0xb8: {  	_ =	strace $0x90000048  }
0xb9: {  	_ =	sfence  }
0xba: {  	s30 =	sld [smem:$0x0];
	_ =	sdelay $0x2  }
0xbb: {  	s31 =	sshll.u32 s1, $0xD;
	s1 =	sshrl.u32 s1, $0x2  }
0xbc: {  	s3 =	sand.u32 $0x4000, s31;
	s1 =	sadd.s32 s1, s30  }
0xbd: {  	s0 =	sor.u32 s3, s0;
	s1 =	sshll.u32 s1, $0x11  }
0xbe: {  	s0 =	sor.u32 s1, s0  }
0xbf: {  	s0 =	sadd.s32 $0x8F2B, s0  }
0xc0: {  	[sflag:s0] =	ssyncadd.remote.s32 $0x1  }
0xc1: {  	_ =	sfence.sel $0xFFFF  }
0xc2: {  	[dreg:$0x0] =	wrdreg $0xFFFFFFFF;
	(pc) =	sbr.abs _section_cstart, $3  }
0xc3: {  	[dreg:$0x1] =	wrdreg $0xFFFFFFFF  }
0xc4: {  	_ =	task.clear_ibuf [dreg:s9], $0x2FFFF;
	_ =	strace $0x9FFFFFFF  }
0xc5: {  	(tm) =	ssettm $0x7FFFFFFF  }
tec
execute0_lowered:
.L_overlay_start_1:
0x0: {  	(tag) =	ssettag $0x1  }
0x1: {  	s1 =	stileid.u32  }
0x2: {  	p0 =	sgt.u32 s1, $0x7  }
.Ltmp0:
0x3: {  	s2 =	rddreg [dreg:$0x0];
	(pc) =	sbr.rel @p0 .LBB2_4-.Ltmp0, $4  }
0x4: {  	s4 =	rddreg [dreg:$0x1]  }
0x5: {  	s14 =	rddreg [dreg:$0x2];
	s3 =	simm.s32 $0x0  }
0x6: {  	[smem:$0x7FF] =	sst s3  }
0x7: {  	s0 =	rddreg [dreg:$0x3];
	_ =	strace $0x80000047  }
0x8: {  	s5 =	srdreg.scid  }
0x9: {  	s30 =	sshll.u32 s1, $0x1;
	s12 =	sand.u32 $0x1, s5  }
0xa: {  	s15 =	sor.u32 s12, s30  }
0xb: {  	s5 =	sadd.s32 s4, s15;
	s4 =	simm.s32 $0x2  }
0xc: {  	[tilespmem:s3], [sflag:$0x2] =	stream.linear.gather [hbm4b:s5+s3], $0x8, $0x38;
	[tilespmem:$0x2080] =	vst v63  }
0xd: {  	_ =	swait.ge [sflag:s4], $0x8  }
0xe: {  	[sflag:s4] =	ssyncset.done $0x0  }
0xf: {  	[sflag:s4] =	ssyncadd.s32 $0xFFFFFFF8  }
0x10: {  	v0 =	vld.msk [tilespmem:$0x0], $0xff;
	_ =	sdelay $0x4  }
0x11: {  	v1 =	vshll.u32 v0, $0x3  }
0x12: {  	v2 =	vlaneseq.u32;
	v3 =	vand.u32 $0x7, v0;
	v1 =	vand.u32 $0xFFFFFFC0, v1  }
0x13: {  	v0 =	vand.u32 $0x7, v2;
	v2 =	vshrl.u32 v2, $0x3;
	v3 =	vor.u32 v3, v1  }
0x14: {  	v1 =	vmul.u32 $0x8, v2;
	v2 =	vperm.xlane v3, v0;
	_ =	sdelay $0x1  }
0x15: {  	v2 =	vadd.s32 v1, v2;
	_ =	sdelay $0x3  }
0x16: {  	vm0 =	vmmov $0xffff;
	s6 =	simm.s32 $0x80;
	s7 =	sadd.s32 $0x100, s2;
	s16 =	ssub.s32 $0x2, s12  }
0x17: {  	[tilespmem:s6], [sflag:$0x1] =	stream.indirect_vreg.gather [hbm4b:s2+s3], $0x80, v2, vm0, $0xb8;
	[tilespmem:$0x2080] =	vst v63  }
0x18: {  	s8 =	simm.s32 $0x880;
	s9 =	sadd.s32 $0x200, s2;
	s17 =	sshrl.u32 s16, $0x1  }
0x19: {  	[tilespmem:s8], [sflag:$0x1] =	stream.indirect_vreg.gather [hbm4b:s7+s3], $0x80, v2, vm0, $0xb8;
	[tilespmem:$0x2080] =	vst v63  }
0x1a: {  	s10 =	sadd.s32 $0x300, s2;
	s11 =	simm.s32 $0x1080;
	s16 =	ssub.s32 s16, s17  }
0x1b: {  	[tilespmem:s11], [sflag:$0x1] =	stream.indirect_vreg.gather [hbm4b:s9+s3], $0x80, v2, vm0, $0xb8;
	[tilespmem:$0x2080] =	vst v63  }
0x1c: {  	s13 =	simm.s32 $0x1;
	s12 =	simm.s32 $0x1880;
	s31 =	smax.u32 s16, $0x1  }
0x1d: {  	[tilespmem:s12], [sflag:$0x1] =	stream.indirect_vreg.gather [hbm4b:s10+s3], $0x80, v2, vm0, $0xb8;
	[tilespmem:$0x2080] =	vst v63  }
0x1e: {  	p0 =	sne.s32 s31, $0x1;
	_ =	swait.ge [sflag:s13], $0x2000  }
.Ltmp1:
0x1f: {  	s15 =	sshll.u32 s15, $0xA;
	[sflag:s13] =	ssyncset.done $0x0;
	(pc) =	sbr.rel @!p0 .LBB2_3-.Ltmp1, $4  }
0x20: {  	s14 =	sadd.s32 s14, s15;
	[sflag:s13] =	ssyncadd.s32 $0xFFFFE000  }
0x21: {  	[hbm4b:s14+s3] =	stream.linear.scatter [tilespmem:s6], [sflag:$0x2], $0x2000, $0x38;
	[tilespmem:$0x2080] =	vst v63  }
0x22: {  	_ =	swait.ge [sflag:s4], $0x2000  }
0x23: {  	s15 =	sadd.s32 $0xFFFFFFFF, s31;
	[sflag:s4] =	ssyncset.done $0x0  }
.LBB2_2:
0x24: {  	p0 =	sne.s32 s15, $0x1;
	s15 =	sadd.s32 $0xFFFFFFFF, s15;
	[sflag:s4] =	ssyncadd.s32 $0xFFFFE000  }
0x25: {  	[tilespmem:s3], [sflag:$0x2] =	stream.linear.gather [hbm4b:s5+s3], $0x8, $0x38;
	[tilespmem:$0x2080] =	vst v63  }
0x26: {  	_ =	swait.ge [sflag:s4], $0x8  }
0x27: {  	[sflag:s4] =	ssyncset.done $0x0  }
0x28: {  	[sflag:s4] =	ssyncadd.s32 $0xFFFFFFF8  }
0x29: {  	v2 =	vld.msk [tilespmem:$0x0], $0xff;
	_ =	sdelay $0x4  }
0x2a: {  	v3 =	vshll.u32 v2, $0x3  }
0x2b: {  	v2 =	vand.u32 $0x7, v2;
	v3 =	vand.u32 $0xFFFFFFC0, v3  }
0x2c: {  	v2 =	vor.u32 v2, v3  }
0x2d: {  	v2 =	vperm.xlane v2, v0;
	_ =	sdelay $0x1  }
0x2e: {  	v2 =	vadd.s32 v1, v2;
	_ =	sdelay $0x4  }
0x2f: {  	[tilespmem:s6], [sflag:$0x1] =	stream.indirect_vreg.gather [hbm4b:s2+s3], $0x80, v2, vm0, $0xb8;
	[tilespmem:$0x2080] =	vst v63  }
0x30: {  	_ = 	snop  }
0x31: {  	[tilespmem:s8], [sflag:$0x1] =	stream.indirect_vreg.gather [hbm4b:s7+s3], $0x80, v2, vm0, $0xb8;
	[tilespmem:$0x2080] =	vst v63  }
0x32: {  	_ = 	snop  }
0x33: {  	[tilespmem:s11], [sflag:$0x1] =	stream.indirect_vreg.gather [hbm4b:s9+s3], $0x80, v2, vm0, $0xb8;
	[tilespmem:$0x2080] =	vst v63  }
0x34: {  	_ = 	snop  }
0x35: {  	[tilespmem:s12], [sflag:$0x1] =	stream.indirect_vreg.gather [hbm4b:s10+s3], $0x80, v2, vm0, $0xb8;
	[tilespmem:$0x2080] =	vst v63  }
0x36: {  	_ =	swait.ge [sflag:s13], $0x2000  }
.Ltmp2:
0x37: {  	[sflag:s13] =	ssyncset.done $0x0;
	(pc) =	sbr.rel @p0 .LBB2_2-.Ltmp2, $4  }
0x38: {  	[sflag:s13] =	ssyncadd.s32 $0xFFFFE000  }
0x39: {  	[hbm4b:s14+s3] =	stream.linear.scatter [tilespmem:s6], [sflag:$0x2], $0x2000, $0x38;
	[tilespmem:$0x2080] =	vst v63  }
0x3a: {  	_ =	swait.ge [sflag:s4], $0x2000  }
0x3b: {  	[sflag:s4] =	ssyncset.done $0x0  }
.LBB2_3:
0x3c: {  	[sflag:s4] =	ssyncadd.s32 $0xFFFFE000  }
.LBB2_4:
0x3d: {  	_ =	sfence.sel $0x180000  }
0x3e: {  	[bflag:$0x0] =	sbarrier.arrive $0xFFFF  }
0x3f: {  	p0 =	sne.s32 s1, $0x0;
	_ =	strace $0x90000047  }
0x40: {  	s0 =	sadd.s32 @!p0 $0x100000, s0;
	[bflag:$0x2] =	sbarrier.arrive $0xFFFF  }
0x41: {  	[sflag:s0] =	ssyncadd.tile.s32 @!p0 $0x1;
	_ =	shalt  }
.Lfunc_end2:
_tile_overlayer_lowered:
.L_overlay_start_2:
0x42: {  	(tag) =	ssettag $0x2  }
0x43: {  	s0 =	rddreg [dreg:$0x0];
	s2 =	stileid.u32  }
0x44: {  	s1 =	rddreg [dreg:$0x1];
	p0 =	sne.s32 s2, $0x0  }
0x45: {  	s3 =	rddreg [dreg:$0x2];
	[bflag:$0x3] =	sbarrier.arrive $0xFFFF;
	s2 =	simm.s32 @!p0 $0x1C02  }
0x46: {  	[timem:s3], [sflag:s2] =	dma.local @!p0 [hbm:s0], s1  }
0x47: {  	s0 =	simm.s32 @!p0 $0x2  }
0x48: {  	_ =	swait.ge @!p0 [sflag:s0], s1  }
0x49: {  	s1 =	ssub.s32 @!p0 $0x0, s1;
	[sflag:s0] =	ssyncset.done @!p0 $0x0  }
0x4a: {  	[sflag:s0] =	ssyncadd.s32 @!p0 s1  }
0x4b: {  	[bflag:$0x3] =	sbarrier.arrive $0xFFFF  }
0x4c: {  	_ =	shalt  }

</sc_bundles>
